<compile_context>
chip_gen: v7x
topology: tpu7x:2x2x1
jax: 0.10.2.dev20260603
libtpu: 0.0.44.dev20260713+nightly
codegen_flags: <defaults>
</compile_context>

<pallas_src>
import functools
import math

import jax
import jax.numpy as jnp
from jax import lax
from jax.experimental import pallas as pl
from jax.experimental.pallas import tpu as pltpu
from jax.experimental.pallas import tpu_sc as plsc

VOCAB = 1000000
SEQ_LEN = 2048
D_EMBED = 128
BATCH = 4
SCALE = math.sqrt(float(D_EMBED))

NUM_CORES = 2
NUM_SUBCORES = 16
NW = NUM_CORES * NUM_SUBCORES
B_TOTAL = BATCH * SEQ_LEN
B_PER_W = B_TOTAL // NW
W_PER_BATCH = SEQ_LEN // B_PER_W
N_CHUNKS = 4
C_ROWS = B_PER_W // N_CHUNKS
LANES = 16


_A_ROWS = 16
_B_ROWS = SEQ_LEN // _A_ROWS


def _pe_tc_body(out_ref):
    k = lax.broadcasted_iota(jnp.int32, (1, D_EMBED), 1)
    half = (k // 2).astype(jnp.float32)
    rate = jnp.exp(half * (-2.0 * math.log(10000.0) / float(D_EMBED)))
    phase = jnp.where(k % 2 == 0, 0.0, 0.5 * math.pi)

    a_ang = (lax.broadcasted_iota(jnp.int32, (_A_ROWS, D_EMBED), 0)
             .astype(jnp.float32) * float(_B_ROWS)) * rate + phase
    b_ang = (lax.broadcasted_iota(jnp.int32, (_B_ROWS, D_EMBED), 0)
             .astype(jnp.float32)) * rate
    sin_a, cos_a = jnp.sin(a_ang), jnp.cos(a_ang)
    sin_b, cos_b = jnp.sin(b_ang), jnp.cos(b_ang)
    pe = (sin_a[:, None, :] * cos_b[None, :, :]
          + cos_a[:, None, :] * sin_b[None, :, :])
    out_ref[...] = pe.reshape(SEQ_LEN * D_EMBED)


_pe_table_tc = pl.pallas_call(
    _pe_tc_body,
    out_shape=jax.ShapeDtypeStruct((SEQ_LEN * D_EMBED,), jnp.float32),
)


def _make_sc_kernel():
    mesh = plsc.VectorSubcoreMesh(
        core_axis_name="c", subcore_axis_name="s")

    @functools.partial(
        pl.kernel,
        mesh=mesh,
        out_type=jax.ShapeDtypeStruct((BATCH, SEQ_LEN, D_EMBED), jnp.float32),
        scratch_types=[
            pltpu.VMEM((B_PER_W,), jnp.int32),
            pltpu.VMEM((N_CHUNKS, C_ROWS, D_EMBED), jnp.float32),
            pltpu.VMEM((N_CHUNKS, C_ROWS, D_EMBED), jnp.float32),
            pltpu.VMEM((B_PER_W * D_EMBED,), jnp.float32),
            pltpu.VMEM_SHARED((4, B_PER_W * D_EMBED), jnp.float32),
        ] + [pltpu.SemaphoreType.DMA] * (2 * N_CHUNKS + 2),
    )
    def emb_kernel(table_hbm, idx_hbm, pe_hbm, out_hbm,
                   idx_v, rows_v, comp_v, pe_v, pe_spm, *sems):
        gsems = sems[:N_CHUNKS]
        psems = sems[N_CHUNKS:2 * N_CHUNKS]
        w_sem, l_sem = sems[2 * N_CHUNKS], sems[2 * N_CHUNKS + 1]
        s = lax.axis_index("s")
        core = lax.axis_index("c")
        wid = s * NUM_CORES + core
        b = wid // W_PER_BATCH
        col0 = lax.rem(wid, W_PER_BATCH) * B_PER_W
        pe_off = pl.multiple_of(col0 * D_EMBED, 8)

        @pl.when(s < 4)
        def _():
            pltpu.async_copy(
                pe_hbm.at[pl.ds(pe_off, B_PER_W * D_EMBED)], pe_spm.at[s],
                l_sem)

        pltpu.sync_copy(idx_hbm.at[b, pl.ds(col0, B_PER_W)], idx_v)
        gathers = [
            pltpu.async_copy(
                table_hbm.at[idx_v.at[pl.ds(c * C_ROWS, C_ROWS)]],
                rows_v.at[c],
                gsems[c],
            )
            for c in range(N_CHUNKS)
        ]

        @pl.when(s < 4)
        def _():
            pltpu.make_async_copy(
                pe_hbm.at[pl.ds(pe_off, B_PER_W * D_EMBED)], pe_spm.at[s],
                l_sem).wait()

        plsc.subcore_barrier()
        slot = lax.rem(s, 4)
        pe_cps = [
            pltpu.async_copy(
                pe_spm.at[slot, pl.ds(c * C_ROWS * D_EMBED,
                                      C_ROWS * D_EMBED)],
                pe_v.at[pl.ds(c * C_ROWS * D_EMBED, C_ROWS * D_EMBED)],
                psems[c],
            )
            for c in range(N_CHUNKS)
        ]
        writes = []
        for c in range(N_CHUNKS):
            gathers[c].wait()
            pe_cps[c].wait()

            def row_body(r, carry, c=c):
                pe_base = (c * C_ROWS + r) * D_EMBED
                for j in range(D_EMBED // LANES):
                    sl = pl.ds(j * LANES, LANES)
                    comp_v[c, r, sl] = (rows_v[c, r, sl] * SCALE
                                        + pe_v[pl.ds(pe_base + j * LANES,
                                                     LANES)])
                return carry

            lax.fori_loop(0, C_ROWS, row_body, 0)
            writes.append(pltpu.async_copy(
                comp_v.at[c],
                out_hbm.at[b, pl.ds(col0 + c * C_ROWS, C_ROWS)],
                w_sem,
            ))
        for w in writes:
            w.wait()

    return emb_kernel


_EMB_KERNEL = _make_sc_kernel()


def kernel(input, token_table):
    pe = _pe_table_tc()
    return _EMB_KERNEL(token_table, input, pe)

# --- scband reference (transcript-rebuilt; emitter-appended) ---
"""Pipeline reference for scband-transformer-embedding-87857851007184 (READ-ONLY COPY).

The authoritative reference and input builder live on the scoring server;
editing this copy changes nothing except your own understanding.
"""

import jax, jax.numpy as jnp
import numpy as np

VOCAB = 1000000
SEQ_LEN = 2048
D_EMBED = 128
BATCH = 4

def _positional_encoding(max_len, d_embed):
    pos = np.arange(max_len)[:, None].astype(np.float32)
    i = np.arange(d_embed)[None, :].astype(np.float32)
    angle_rates = 1.0 / np.power(10000.0, (2.0 * np.floor(i / 2.0)) / float(d_embed))
    angles = pos * angle_rates
    pe = np.zeros((max_len, d_embed), dtype=np.float32)
    pe[:, 0::2] = np.sin(angles[:, 0::2])
    pe[:, 1::2] = np.cos(angles[:, 1::2])
    return jnp.asarray(pe)

def setup_inputs(seed: int = 0) -> dict:
    key = jax.random.key(seed)
    k1, k2 = jax.random.split(key)
    inp = jax.random.randint(k1, (BATCH, SEQ_LEN), 0, VOCAB, dtype=jnp.int32)
    token_table = jax.random.normal(k2, (VOCAB, D_EMBED), dtype=jnp.float32) * 0.02
    return {"input": inp, "token_table": token_table}

def reference(input, token_table):
    # token embedding: gather rows from the table
    tok = jnp.take(token_table, input, axis=0)  # [B, L, D]
    scale = jnp.sqrt(jnp.asarray(D_EMBED, dtype=jnp.float32))
    pe = _positional_encoding(SEQ_LEN, D_EMBED)  # [L, D]
    L = input.shape[1]
    out = tok * scale + pe[None, :L, :]
    # dropout is identity at inference
    return out

if __name__ == "__main__":
    import jax
    _d = setup_inputs()
    print(jax.jit(kernel)(*tuple(_d.values())))

</pallas_src>

<mosaic_0001>
#map = affine_map<(d0, d1) -> (0, 0)>
#map1 = affine_map<(d0, d1) -> (0)>
#map2 = affine_map<(d0, d1) -> (0, 0, 0)>
module attributes {stable_mosaic.version = 14 : i64} {
  func.func @emb_kernel(%arg0: i32, %arg1: i32, %arg2: memref<1000000x128xf32, #tpu.memory_space<hbm>>, %arg3: memref<4x2048xi32, #tpu.memory_space<hbm>>, %arg4: memref<262144xf32, #tpu.memory_space<hbm>>, %arg5: memref<4x2048x128xf32, #tpu.memory_space<hbm>>, %arg6: memref<256xi32, #tpu.memory_space<vmem>>, %arg7: memref<4x64x128xf32, #tpu.memory_space<vmem>>, %arg8: memref<4x64x128xf32, #tpu.memory_space<vmem>>, %arg9: memref<32768xf32, #tpu.memory_space<vmem>>, %arg10: memref<4x32768xf32, #tpu.memory_space<vmem_shared>>, %arg11: memref<!tpu.dma_semaphore, #tpu.memory_space<semaphore_mem>>, %arg12: memref<!tpu.dma_semaphore, #tpu.memory_space<semaphore_mem>>, %arg13: memref<!tpu.dma_semaphore, #tpu.memory_space<semaphore_mem>>, %arg14: memref<!tpu.dma_semaphore, #tpu.memory_space<semaphore_mem>>, %arg15: memref<!tpu.dma_semaphore, #tpu.memory_space<semaphore_mem>>, %arg16: memref<!tpu.dma_semaphore, #tpu.memory_space<semaphore_mem>>, %arg17: memref<!tpu.dma_semaphore, #tpu.memory_space<semaphore_mem>>, %arg18: memref<!tpu.dma_semaphore, #tpu.memory_space<semaphore_mem>>, %arg19: memref<!tpu.dma_semaphore, #tpu.memory_space<semaphore_mem>>, %arg20: memref<!tpu.dma_semaphore, #tpu.memory_space<semaphore_mem>>) attributes {dimension_semantics = [#tpu.dimension_semantics<core_parallel>, #tpu.dimension_semantics<subcore_parallel>], iteration_bounds = array<i64: 2, 16>, scalar_prefetch = 0 : i64, scratch_operands = 15 : i64, tpu.core_type = #tpu.core_type<sc_vector_subcore>, window_params = [{transform_indices = #map}, {transform_indices = #map}, {transform_indices = #map1}, {transform_indices = #map2}]} {
    %mul3A = arith.constant 2 : i32
    %mul3A_0 = arith.muli %arg1, %mul3A : i32
    %add3A = arith.addi %mul3A_0, %arg0 : i32
    %jit3A = arith.constant 8 : i32
    %div3A = arith.divsi %add3A, %jit3A : i32
    %sign3A = arith.constant 0 : i32
    %sign3A_1 = arith.cmpi sgt, %add3A, %sign3A : i32
    %sign3A_2 = arith.extui %sign3A_1 : i1 to i32
    %sign3A_3 = arith.constant 0 : i32
    %sign3A_4 = arith.cmpi slt, %add3A, %sign3A_3 : i32
    %sign3A_5 = arith.extui %sign3A_4 : i1 to i32
    %sign3A_6 = arith.subi %sign3A_2, %sign3A_5 : i32
    %sign3A_7 = arith.constant 0 : i32
    %sign3A_8 = arith.cmpi sgt, %jit3A, %sign3A_7 : i32
    %sign3A_9 = arith.extui %sign3A_8 : i1 to i32
    %sign3A_10 = arith.constant 0 : i32
    %sign3A_11 = arith.cmpi slt, %jit3A, %sign3A_10 : i32
    %sign3A_12 = arith.extui %sign3A_11 : i1 to i32
    %sign3A_13 = arith.subi %sign3A_9, %sign3A_12 : i32
    %ne3A = arith.cmpi ne, %sign3A_6, %sign3A_13 : i32
    %rem3A = arith.remsi %add3A, %jit3A : i32
    %ne3A_14 = arith.constant 0 : i32
    %ne3A_15 = arith.cmpi ne, %rem3A, %ne3A_14 : i32
    %and3A = arith.andi %ne3A, %ne3A_15 : i1
    %sub3A = arith.constant 1 : i32
    %sub3A_16 = arith.subi %div3A, %sub3A : i32
    %select_n3A = arith.select %and3A, %sub3A_16, %div3A : i32
    %rem3A_17 = arith.constant 8 : i32
    %rem3A_18 = arith.remsi %add3A, %rem3A_17 : i32
    %mul3A_19 = arith.constant 256 : i32
    %mul3A_20 = arith.muli %rem3A_18, %mul3A_19 : i32
    %mul3A_21 = arith.constant 128 : i32
    %mul3A_22 = arith.muli %mul3A_20, %mul3A_21 : i32
    %multiple_of3A = tpu.assume_multiple %mul3A_22, 8 : i32
    %lt3A = arith.constant 4 : i32
    %lt3A_23 = arith.cmpi slt, %arg1, %lt3A : i32
    %convert_element_type3A = arith.extui %lt3A_23 : i1 to i32
    %cond3A = arith.constant 0 : i32
    %cond3A_24 = arith.cmpi ne, %convert_element_type3A, %cond3A : i32
    scf.if %cond3A_24 {
      %dma_start3A_341 = arith.constant 0 : i32
      %dma_start3A_342 = tpu.memref_slice %arg10[%arg1, %dma_start3A_341] : memref<4x32768xf32, #tpu.memory_space<vmem_shared>> -> memref<1x32768xf32, #tpu.memory_space<vmem_shared>>
      %dma_start3A_343 = tpu.memref_squeeze %dma_start3A_342 : memref<1x32768xf32, #tpu.memory_space<vmem_shared>> -> memref<32768xf32, #tpu.memory_space<vmem_shared>>
      %dma_start3A_344 = tpu.memref_slice %arg4[%multiple_of3A] : memref<262144xf32, #tpu.memory_space<hbm>> -> memref<32768xf32, #tpu.memory_space<hbm>>
      tpu.enqueue_dma source(%dma_start3A_344 : memref<32768xf32, #tpu.memory_space<hbm>>) target(%dma_start3A_343 : memref<32768xf32, #tpu.memory_space<vmem_shared>>) target_semaphore(%arg20 : memref<!tpu.dma_semaphore, #tpu.memory_space<semaphore_mem>>)
    } else {
    }
    "tpu.region"() ({
      %run_scoped3A = tpu.sem_alloc : memref<!tpu.dma_semaphore, #tpu.memory_space<semaphore_mem>>
      %dma_start3A_341 = tpu.memref_slice %arg3[%select_n3A, %mul3A_20] : memref<4x2048xi32, #tpu.memory_space<hbm>> -> memref<1x256xi32, #tpu.memory_space<hbm>>
      %dma_start3A_342 = tpu.memref_squeeze %dma_start3A_341 : memref<1x256xi32, #tpu.memory_space<hbm>> -> memref<256xi32, #tpu.memory_space<hbm>>
      %dma_start3A_343 = tpu.memref_slice %arg3[%select_n3A, %mul3A_20] : memref<4x2048xi32, #tpu.memory_space<hbm>> -> memref<1x256xi32, #tpu.memory_space<hbm>>
      %dma_start3A_344 = tpu.memref_squeeze %dma_start3A_343 : memref<1x256xi32, #tpu.memory_space<hbm>> -> memref<256xi32, #tpu.memory_space<hbm>>
      tpu.enqueue_dma source(%dma_start3A_344 : memref<256xi32, #tpu.memory_space<hbm>>) target(%arg6 : memref<256xi32, #tpu.memory_space<vmem>>) target_semaphore(%run_scoped3A : memref<!tpu.dma_semaphore, #tpu.memory_space<semaphore_mem>>)
      %dma_wait3A_345 = tpu.memref_slice %arg3[%select_n3A, %mul3A_20] : memref<4x2048xi32, #tpu.memory_space<hbm>> -> memref<1x256xi32, #tpu.memory_space<hbm>>
      %dma_wait3A_346 = tpu.memref_squeeze %dma_wait3A_345 : memref<1x256xi32, #tpu.memory_space<hbm>> -> memref<256xi32, #tpu.memory_space<hbm>>
      %dma_wait3A_347 = tpu.memref_slice %arg3[%select_n3A, %mul3A_20] : memref<4x2048xi32, #tpu.memory_space<hbm>> -> memref<1x256xi32, #tpu.memory_space<hbm>>
      %dma_wait3A_348 = tpu.memref_squeeze %dma_wait3A_347 : memref<1x256xi32, #tpu.memory_space<hbm>> -> memref<256xi32, #tpu.memory_space<hbm>>
      tpu.wait_dma2 semaphore(%run_scoped3A : memref<!tpu.dma_semaphore, #tpu.memory_space<semaphore_mem>>) src(%dma_wait3A_348 : memref<256xi32, #tpu.memory_space<hbm>>) dst(%arg6 : memref<256xi32, #tpu.memory_space<vmem>>)
      tpu.yield
    }) : () -> ()
    %dma_start3A = arith.constant 0 : i32
    %dma_start3A_25 = arith.constant 0 : i32
    %dma_start3A_26 = arith.constant 0 : i32
    %dma_start3A_27 = tpu.memref_slice %arg7[%dma_start3A, %dma_start3A_25, %dma_start3A_26] : memref<4x64x128xf32, #tpu.memory_space<vmem>> -> memref<1x64x128xf32, #tpu.memory_space<vmem>>
    %dma_start3A_28 = tpu.memref_squeeze %dma_start3A_27 : memref<1x64x128xf32, #tpu.memory_space<vmem>> -> memref<64x128xf32, #tpu.memory_space<vmem>>
    %dma_start3A_29 = arith.constant 0 : i32
    %dma_start3A_30 = tpu.memref_slice %arg6[%dma_start3A_29] : memref<256xi32, #tpu.memory_space<vmem>> -> memref<64xi32, #tpu.memory_space<vmem>>
    %dma_start3A_31 = arith.constant 0 : i32
    %dma_start3A_32 = arith.constant 0 : i32
    %dma_start3A_33 = tpu.memref_slice %arg2[%dma_start3A_31, %dma_start3A_32] : memref<1000000x128xf32, #tpu.memory_space<hbm>> -> memref<1000000x128xf32, #tpu.memory_space<hbm>>
    tpu.enqueue_indirect_dma source(%dma_start3A_33 : memref<1000000x128xf32, #tpu.memory_space<hbm>>) target(%dma_start3A_28 : memref<64x128xf32, #tpu.memory_space<vmem>>) offsets(%dma_start3A_30 : memref<64xi32, #tpu.memory_space<vmem>>) semaphore(%arg11 : memref<!tpu.dma_semaphore, #tpu.memory_space<semaphore_mem>>)
    %dma_start3A_34 = arith.constant 1 : i32
    %dma_start3A_35 = arith.constant 0 : i32
    %dma_start3A_36 = arith.constant 0 : i32
    %dma_start3A_37 = tpu.memref_slice %arg7[%dma_start3A_34, %dma_start3A_35, %dma_start3A_36] : memref<4x64x128xf32, #tpu.memory_space<vmem>> -> memref<1x64x128xf32, #tpu.memory_space<vmem>>
    %dma_start3A_38 = tpu.memref_squeeze %dma_start3A_37 : memref<1x64x128xf32, #tpu.memory_space<vmem>> -> memref<64x128xf32, #tpu.memory_space<vmem>>
    %dma_start3A_39 = arith.constant 64 : i32
    %dma_start3A_40 = tpu.memref_slice %arg6[%dma_start3A_39] : memref<256xi32, #tpu.memory_space<vmem>> -> memref<64xi32, #tpu.memory_space<vmem>>
    %dma_start3A_41 = arith.constant 0 : i32
    %dma_start3A_42 = arith.constant 0 : i32
    %dma_start3A_43 = tpu.memref_slice %arg2[%dma_start3A_41, %dma_start3A_42] : memref<1000000x128xf32, #tpu.memory_space<hbm>> -> memref<1000000x128xf32, #tpu.memory_space<hbm>>
    tpu.enqueue_indirect_dma source(%dma_start3A_43 : memref<1000000x128xf32, #tpu.memory_space<hbm>>) target(%dma_start3A_38 : memref<64x128xf32, #tpu.memory_space<vmem>>) offsets(%dma_start3A_40 : memref<64xi32, #tpu.memory_space<vmem>>) semaphore(%arg12 : memref<!tpu.dma_semaphore, #tpu.memory_space<semaphore_mem>>)
    %dma_start3A_44 = arith.constant 2 : i32
    %dma_start3A_45 = arith.constant 0 : i32
    %dma_start3A_46 = arith.constant 0 : i32
    %dma_start3A_47 = tpu.memref_slice %arg7[%dma_start3A_44, %dma_start3A_45, %dma_start3A_46] : memref<4x64x128xf32, #tpu.memory_space<vmem>> -> memref<1x64x128xf32, #tpu.memory_space<vmem>>
    %dma_start3A_48 = tpu.memref_squeeze %dma_start3A_47 : memref<1x64x128xf32, #tpu.memory_space<vmem>> -> memref<64x128xf32, #tpu.memory_space<vmem>>
    %dma_start3A_49 = arith.constant 128 : i32
    %dma_start3A_50 = tpu.memref_slice %arg6[%dma_start3A_49] : memref<256xi32, #tpu.memory_space<vmem>> -> memref<64xi32, #tpu.memory_space<vmem>>
    %dma_start3A_51 = arith.constant 0 : i32
    %dma_start3A_52 = arith.constant 0 : i32
    %dma_start3A_53 = tpu.memref_slice %arg2[%dma_start3A_51, %dma_start3A_52] : memref<1000000x128xf32, #tpu.memory_space<hbm>> -> memref<1000000x128xf32, #tpu.memory_space<hbm>>
    tpu.enqueue_indirect_dma source(%dma_start3A_53 : memref<1000000x128xf32, #tpu.memory_space<hbm>>) target(%dma_start3A_48 : memref<64x128xf32, #tpu.memory_space<vmem>>) offsets(%dma_start3A_50 : memref<64xi32, #tpu.memory_space<vmem>>) semaphore(%arg13 : memref<!tpu.dma_semaphore, #tpu.memory_space<semaphore_mem>>)
    %dma_start3A_54 = arith.constant 3 : i32
    %dma_start3A_55 = arith.constant 0 : i32
    %dma_start3A_56 = arith.constant 0 : i32
    %dma_start3A_57 = tpu.memref_slice %arg7[%dma_start3A_54, %dma_start3A_55, %dma_start3A_56] : memref<4x64x128xf32, #tpu.memory_space<vmem>> -> memref<1x64x128xf32, #tpu.memory_space<vmem>>
    %dma_start3A_58 = tpu.memref_squeeze %dma_start3A_57 : memref<1x64x128xf32, #tpu.memory_space<vmem>> -> memref<64x128xf32, #tpu.memory_space<vmem>>
    %dma_start3A_59 = arith.constant 192 : i32
    %dma_start3A_60 = tpu.memref_slice %arg6[%dma_start3A_59] : memref<256xi32, #tpu.memory_space<vmem>> -> memref<64xi32, #tpu.memory_space<vmem>>
    %dma_start3A_61 = arith.constant 0 : i32
    %dma_start3A_62 = arith.constant 0 : i32
    %dma_start3A_63 = tpu.memref_slice %arg2[%dma_start3A_61, %dma_start3A_62] : memref<1000000x128xf32, #tpu.memory_space<hbm>> -> memref<1000000x128xf32, #tpu.memory_space<hbm>>
    tpu.enqueue_indirect_dma source(%dma_start3A_63 : memref<1000000x128xf32, #tpu.memory_space<hbm>>) target(%dma_start3A_58 : memref<64x128xf32, #tpu.memory_space<vmem>>) offsets(%dma_start3A_60 : memref<64xi32, #tpu.memory_space<vmem>>) semaphore(%arg14 : memref<!tpu.dma_semaphore, #tpu.memory_space<semaphore_mem>>)
    %lt3A_64 = arith.constant 4 : i32
    %lt3A_65 = arith.cmpi slt, %arg1, %lt3A_64 : i32
    %convert_element_type3A_66 = arith.extui %lt3A_65 : i1 to i32
    %cond3A_67 = arith.constant 0 : i32
    %cond3A_68 = arith.cmpi ne, %convert_element_type3A_66, %cond3A_67 : i32
    scf.if %cond3A_68 {
      %dma_wait3A_341 = arith.constant 0 : i32
      %dma_wait3A_342 = tpu.memref_slice %arg10[%arg1, %dma_wait3A_341] : memref<4x32768xf32, #tpu.memory_space<vmem_shared>> -> memref<1x32768xf32, #tpu.memory_space<vmem_shared>>
      %dma_wait3A_343 = tpu.memref_squeeze %dma_wait3A_342 : memref<1x32768xf32, #tpu.memory_space<vmem_shared>> -> memref<32768xf32, #tpu.memory_space<vmem_shared>>
      %dma_wait3A_344 = tpu.memref_slice %arg4[%multiple_of3A] : memref<262144xf32, #tpu.memory_space<hbm>> -> memref<32768xf32, #tpu.memory_space<hbm>>
      tpu.wait_dma2 semaphore(%arg20 : memref<!tpu.dma_semaphore, #tpu.memory_space<semaphore_mem>>) src(%dma_wait3A_344 : memref<32768xf32, #tpu.memory_space<hbm>>) dst(%dma_wait3A_343 : memref<32768xf32, #tpu.memory_space<vmem_shared>>)
    } else {
    }
    %barrier3A = arith.constant 0 : index
    tpu.barrier barrier_id(%barrier3A)
    %rem3A_69 = arith.constant 4 : i32
    %rem3A_70 = arith.remsi %arg1, %rem3A_69 : i32
    %dma_start3A_71 = arith.constant 0 : i32
    %dma_start3A_72 = tpu.memref_slice %arg9[%dma_start3A_71] : memref<32768xf32, #tpu.memory_space<vmem>> -> memref<8192xf32, #tpu.memory_space<vmem>>
    %dma_start3A_73 = arith.constant 0 : i32
    %dma_start3A_74 = tpu.memref_slice %arg10[%rem3A_70, %dma_start3A_73] : memref<4x32768xf32, #tpu.memory_space<vmem_shared>> -> memref<1x8192xf32, #tpu.memory_space<vmem_shared>>
    %dma_start3A_75 = tpu.memref_squeeze %dma_start3A_74 : memref<1x8192xf32, #tpu.memory_space<vmem_shared>> -> memref<8192xf32, #tpu.memory_space<vmem_shared>>
    %dma_start3A_76 = arith.constant 0 : i32
    %dma_start3A_77 = tpu.memref_slice %arg9[%dma_start3A_76] : memref<32768xf32, #tpu.memory_space<vmem>> -> memref<8192xf32, #tpu.memory_space<vmem>>
    %dma_start3A_78 = arith.constant 0 : i32
    %dma_start3A_79 = tpu.memref_slice %arg10[%rem3A_70, %dma_start3A_78] : memref<4x32768xf32, #tpu.memory_space<vmem_shared>> -> memref<1x8192xf32, #tpu.memory_space<vmem_shared>>
    %dma_start3A_80 = tpu.memref_squeeze %dma_start3A_79 : memref<1x8192xf32, #tpu.memory_space<vmem_shared>> -> memref<8192xf32, #tpu.memory_space<vmem_shared>>
    tpu.enqueue_dma source(%dma_start3A_80 : memref<8192xf32, #tpu.memory_space<vmem_shared>>) target(%dma_start3A_77 : memref<8192xf32, #tpu.memory_space<vmem>>) target_semaphore(%arg15 : memref<!tpu.dma_semaphore, #tpu.memory_space<semaphore_mem>>)
    %dma_start3A_81 = arith.constant 8192 : i32
    %dma_start3A_82 = tpu.memref_slice %arg9[%dma_start3A_81] : memref<32768xf32, #tpu.memory_space<vmem>> -> memref<8192xf32, #tpu.memory_space<vmem>>
    %dma_start3A_83 = arith.constant 8192 : i32
    %dma_start3A_84 = tpu.memref_slice %arg10[%rem3A_70, %dma_start3A_83] : memref<4x32768xf32, #tpu.memory_space<vmem_shared>> -> memref<1x8192xf32, #tpu.memory_space<vmem_shared>>
    %dma_start3A_85 = tpu.memref_squeeze %dma_start3A_84 : memref<1x8192xf32, #tpu.memory_space<vmem_shared>> -> memref<8192xf32, #tpu.memory_space<vmem_shared>>
    %dma_start3A_86 = arith.constant 8192 : i32
    %dma_start3A_87 = tpu.memref_slice %arg9[%dma_start3A_86] : memref<32768xf32, #tpu.memory_space<vmem>> -> memref<8192xf32, #tpu.memory_space<vmem>>
    %dma_start3A_88 = arith.constant 8192 : i32
    %dma_start3A_89 = tpu.memref_slice %arg10[%rem3A_70, %dma_start3A_88] : memref<4x32768xf32, #tpu.memory_space<vmem_shared>> -> memref<1x8192xf32, #tpu.memory_space<vmem_shared>>
    %dma_start3A_90 = tpu.memref_squeeze %dma_start3A_89 : memref<1x8192xf32, #tpu.memory_space<vmem_shared>> -> memref<8192xf32, #tpu.memory_space<vmem_shared>>
    tpu.enqueue_dma source(%dma_start3A_90 : memref<8192xf32, #tpu.memory_space<vmem_shared>>) target(%dma_start3A_87 : memref<8192xf32, #tpu.memory_space<vmem>>) target_semaphore(%arg16 : memref<!tpu.dma_semaphore, #tpu.memory_space<semaphore_mem>>)
    %dma_start3A_91 = arith.constant 16384 : i32
    %dma_start3A_92 = tpu.memref_slice %arg9[%dma_start3A_91] : memref<32768xf32, #tpu.memory_space<vmem>> -> memref<8192xf32, #tpu.memory_space<vmem>>
    %dma_start3A_93 = arith.constant 16384 : i32
    %dma_start3A_94 = tpu.memref_slice %arg10[%rem3A_70, %dma_start3A_93] : memref<4x32768xf32, #tpu.memory_space<vmem_shared>> -> memref<1x8192xf32, #tpu.memory_space<vmem_shared>>
    %dma_start3A_95 = tpu.memref_squeeze %dma_start3A_94 : memref<1x8192xf32, #tpu.memory_space<vmem_shared>> -> memref<8192xf32, #tpu.memory_space<vmem_shared>>
    %dma_start3A_96 = arith.constant 16384 : i32
    %dma_start3A_97 = tpu.memref_slice %arg9[%dma_start3A_96] : memref<32768xf32, #tpu.memory_space<vmem>> -> memref<8192xf32, #tpu.memory_space<vmem>>
    %dma_start3A_98 = arith.constant 16384 : i32
    %dma_start3A_99 = tpu.memref_slice %arg10[%rem3A_70, %dma_start3A_98] : memref<4x32768xf32, #tpu.memory_space<vmem_shared>> -> memref<1x8192xf32, #tpu.memory_space<vmem_shared>>
    %dma_start3A_100 = tpu.memref_squeeze %dma_start3A_99 : memref<1x8192xf32, #tpu.memory_space<vmem_shared>> -> memref<8192xf32, #tpu.memory_space<vmem_shared>>
    tpu.enqueue_dma source(%dma_start3A_100 : memref<8192xf32, #tpu.memory_space<vmem_shared>>) target(%dma_start3A_97 : memref<8192xf32, #tpu.memory_space<vmem>>) target_semaphore(%arg17 : memref<!tpu.dma_semaphore, #tpu.memory_space<semaphore_mem>>)
    %dma_start3A_101 = arith.constant 24576 : i32
    %dma_start3A_102 = tpu.memref_slice %arg9[%dma_start3A_101] : memref<32768xf32, #tpu.memory_space<vmem>> -> memref<8192xf32, #tpu.memory_space<vmem>>
    %dma_start3A_103 = arith.constant 24576 : i32
    %dma_start3A_104 = tpu.memref_slice %arg10[%rem3A_70, %dma_start3A_103] : memref<4x32768xf32, #tpu.memory_space<vmem_shared>> -> memref<1x8192xf32, #tpu.memory_space<vmem_shared>>
    %dma_start3A_105 = tpu.memref_squeeze %dma_start3A_104 : memref<1x8192xf32, #tpu.memory_space<vmem_shared>> -> memref<8192xf32, #tpu.memory_space<vmem_shared>>
    %dma_start3A_106 = arith.constant 24576 : i32
    %dma_start3A_107 = tpu.memref_slice %arg9[%dma_start3A_106] : memref<32768xf32, #tpu.memory_space<vmem>> -> memref<8192xf32, #tpu.memory_space<vmem>>
    %dma_start3A_108 = arith.constant 24576 : i32
    %dma_start3A_109 = tpu.memref_slice %arg10[%rem3A_70, %dma_start3A_108] : memref<4x32768xf32, #tpu.memory_space<vmem_shared>> -> memref<1x8192xf32, #tpu.memory_space<vmem_shared>>
    %dma_start3A_110 = tpu.memref_squeeze %dma_start3A_109 : memref<1x8192xf32, #tpu.memory_space<vmem_shared>> -> memref<8192xf32, #tpu.memory_space<vmem_shared>>
    tpu.enqueue_dma source(%dma_start3A_110 : memref<8192xf32, #tpu.memory_space<vmem_shared>>) target(%dma_start3A_107 : memref<8192xf32, #tpu.memory_space<vmem>>) target_semaphore(%arg18 : memref<!tpu.dma_semaphore, #tpu.memory_space<semaphore_mem>>)
    %dma_wait3A = arith.constant 0 : i32
    %dma_wait3A_111 = arith.constant 0 : i32
    %dma_wait3A_112 = arith.constant 0 : i32
    %dma_wait3A_113 = tpu.memref_slice %arg7[%dma_wait3A, %dma_wait3A_111, %dma_wait3A_112] : memref<4x64x128xf32, #tpu.memory_space<vmem>> -> memref<1x64x128xf32, #tpu.memory_space<vmem>>
    %dma_wait3A_114 = tpu.memref_squeeze %dma_wait3A_113 : memref<1x64x128xf32, #tpu.memory_space<vmem>> -> memref<64x128xf32, #tpu.memory_space<vmem>>
    %dma_wait3A_115 = arith.constant 0 : i32
    %dma_wait3A_116 = tpu.memref_slice %arg6[%dma_wait3A_115] : memref<256xi32, #tpu.memory_space<vmem>> -> memref<64xi32, #tpu.memory_space<vmem>>
    %dma_wait3A_117 = arith.constant 0 : i32
    %dma_wait3A_118 = arith.constant 0 : i32
    %dma_wait3A_119 = tpu.memref_slice %arg2[%dma_wait3A_117, %dma_wait3A_118] : memref<1000000x128xf32, #tpu.memory_space<hbm>> -> memref<1000000x128xf32, #tpu.memory_space<hbm>>
    tpu.wait_indirect_dma semaphore(%arg11 : memref<!tpu.dma_semaphore, #tpu.memory_space<semaphore_mem>>) src(%dma_wait3A_119 : memref<1000000x128xf32, #tpu.memory_space<hbm>>) dst(%dma_wait3A_114 : memref<64x128xf32, #tpu.memory_space<vmem>>)
    %dma_wait3A_120 = arith.constant 0 : i32
    %dma_wait3A_121 = tpu.memref_slice %arg9[%dma_wait3A_120] : memref<32768xf32, #tpu.memory_space<vmem>> -> memref<8192xf32, #tpu.memory_space<vmem>>
    %dma_wait3A_122 = arith.constant 0 : i32
    %dma_wait3A_123 = tpu.memref_slice %arg10[%rem3A_70, %dma_wait3A_122] : memref<4x32768xf32, #tpu.memory_space<vmem_shared>> -> memref<1x8192xf32, #tpu.memory_space<vmem_shared>>
    %dma_wait3A_124 = tpu.memref_squeeze %dma_wait3A_123 : memref<1x8192xf32, #tpu.memory_space<vmem_shared>> -> memref<8192xf32, #tpu.memory_space<vmem_shared>>
    %dma_wait3A_125 = arith.constant 0 : i32
    %dma_wait3A_126 = tpu.memref_slice %arg9[%dma_wait3A_125] : memref<32768xf32, #tpu.memory_space<vmem>> -> memref<8192xf32, #tpu.memory_space<vmem>>
    %dma_wait3A_127 = arith.constant 0 : i32
    %dma_wait3A_128 = tpu.memref_slice %arg10[%rem3A_70, %dma_wait3A_127] : memref<4x32768xf32, #tpu.memory_space<vmem_shared>> -> memref<1x8192xf32, #tpu.memory_space<vmem_shared>>
    %dma_wait3A_129 = tpu.memref_squeeze %dma_wait3A_128 : memref<1x8192xf32, #tpu.memory_space<vmem_shared>> -> memref<8192xf32, #tpu.memory_space<vmem_shared>>
    tpu.wait_dma2 semaphore(%arg15 : memref<!tpu.dma_semaphore, #tpu.memory_space<semaphore_mem>>) src(%dma_wait3A_129 : memref<8192xf32, #tpu.memory_space<vmem_shared>>) dst(%dma_wait3A_126 : memref<8192xf32, #tpu.memory_space<vmem>>)
    %scan3A = arith.constant 0 : i32
    %scan3A_130 = arith.constant 0 : i32
    %scan3A_131 = arith.constant 64 : i32
    %scan3A_132 = arith.addi %scan3A_130, %scan3A_131 : i32
    %scan3A_133 = arith.constant 1 : i32
    scf.for %scan3A_341 = %scan3A_130 to %scan3A_132 step %scan3A_133  : i32 {
      %add3A_342 = arith.constant 0 : i32
      %add3A_343 = arith.addi %add3A_342, %scan3A_341 : i32
      %mul3A_344 = arith.constant 128 : i32
      %mul3A_345 = arith.muli %add3A_343, %mul3A_344 : i32
      %get3A = arith.constant 0 : i32
      %get3A_346 = arith.index_cast %get3A : i32 to index
      %get3A_347 = arith.index_cast %scan3A_341 : i32 to index
      %get3A_348 = arith.constant 0 : index
      %get3A_349 = tpu.vector_load %arg7[%get3A_346, %get3A_347, %get3A_348] {strides = array<i32>} : memref<4x64x128xf32, #tpu.memory_space<vmem>>, vector<1x1x16xf32>,
      %get3A_350 = vector.shape_cast %get3A_349 : vector<1x1x16xf32> to vector<16xf32>
      %mul3A_351 = arith.constant 11.3137083 : f32
      %mul3A_352 = vector.broadcast %mul3A_351 : f32 to vector<16xf32>
      %mul3A_353 = arith.mulf %get3A_350, %mul3A_352 : vector<16xf32>
      %add3A_354 = arith.constant 0 : i32
      %add3A_355 = arith.addi %mul3A_345, %add3A_354 : i32
      %get3A_356 = arith.index_cast %add3A_355 : i32 to index
      %get3A_357 = tpu.vector_load %arg9[%get3A_356] {strides = array<i32>} : memref<32768xf32, #tpu.memory_space<vmem>>, vector<16xf32>,
      %get3A_358 = vector.shape_cast %get3A_357 : vector<16xf32> to vector<16xf32>
      %add3A_359 = arith.addf %mul3A_353, %get3A_358 : vector<16xf32>
      %swap3A = arith.constant 0 : i32
      %swap3A_360 = arith.index_cast %swap3A : i32 to index
      %swap3A_361 = arith.index_cast %scan3A_341 : i32 to index
      %swap3A_362 = arith.constant 0 : index
      %swap3A_363 = tpu.vector_load %arg8[%swap3A_360, %swap3A_361, %swap3A_362] {strides = array<i32>} : memref<4x64x128xf32, #tpu.memory_space<vmem>>, vector<1x1x16xf32>,
      %swap3A_364 = vector.shape_cast %swap3A_363 : vector<1x1x16xf32> to vector<16xf32>
      %swap3A_365 = vector.shape_cast %add3A_359 : vector<16xf32> to vector<1x1x16xf32>
      tpu.vector_store %arg8[%swap3A_360, %swap3A_361, %swap3A_362], %swap3A_365 {strides = array<i32>} : memref<4x64x128xf32, #tpu.memory_space<vmem>>, vector<1x1x16xf32>,
      %get3A_366 = arith.constant 0 : i32
      %get3A_367 = arith.index_cast %get3A_366 : i32 to index
      %get3A_368 = arith.index_cast %scan3A_341 : i32 to index
      %get3A_369 = arith.constant 16 : index
      %get3A_370 = tpu.vector_load %arg7[%get3A_367, %get3A_368, %get3A_369] {strides = array<i32>} : memref<4x64x128xf32, #tpu.memory_space<vmem>>, vector<1x1x16xf32>,
      %get3A_371 = vector.shape_cast %get3A_370 : vector<1x1x16xf32> to vector<16xf32>
      %mul3A_372 = arith.constant 11.3137083 : f32
      %mul3A_373 = vector.broadcast %mul3A_372 : f32 to vector<16xf32>
      %mul3A_374 = arith.mulf %get3A_371, %mul3A_373 : vector<16xf32>
      %add3A_375 = arith.constant 16 : i32
      %add3A_376 = arith.addi %mul3A_345, %add3A_375 : i32
      %get3A_377 = arith.index_cast %add3A_376 : i32 to index
      %get3A_378 = tpu.vector_load %arg9[%get3A_377] {strides = array<i32>} : memref<32768xf32, #tpu.memory_space<vmem>>, vector<16xf32>,
      %get3A_379 = vector.shape_cast %get3A_378 : vector<16xf32> to vector<16xf32>
      %add3A_380 = arith.addf %mul3A_374, %get3A_379 : vector<16xf32>
      %swap3A_381 = arith.constant 0 : i32
      %swap3A_382 = arith.index_cast %swap3A_381 : i32 to index
      %swap3A_383 = arith.index_cast %scan3A_341 : i32 to index
      %swap3A_384 = arith.constant 16 : index
      %swap3A_385 = tpu.vector_load %arg8[%swap3A_382, %swap3A_383, %swap3A_384] {strides = array<i32>} : memref<4x64x128xf32, #tpu.memory_space<vmem>>, vector<1x1x16xf32>,
      %swap3A_386 = vector.shape_cast %swap3A_385 : vector<1x1x16xf32> to vector<16xf32>
      %swap3A_387 = vector.shape_cast %add3A_380 : vector<16xf32> to vector<1x1x16xf32>
      tpu.vector_store %arg8[%swap3A_382, %swap3A_383, %swap3A_384], %swap3A_387 {strides = array<i32>} : memref<4x64x128xf32, #tpu.memory_space<vmem>>, vector<1x1x16xf32>,
      %get3A_388 = arith.constant 0 : i32
      %get3A_389 = arith.index_cast %get3A_388 : i32 to index
      %get3A_390 = arith.index_cast %scan3A_341 : i32 to index
      %get3A_391 = arith.constant 32 : index
      %get3A_392 = tpu.vector_load %arg7[%get3A_389, %get3A_390, %get3A_391] {strides = array<i32>} : memref<4x64x128xf32, #tpu.memory_space<vmem>>, vector<1x1x16xf32>,
      %get3A_393 = vector.shape_cast %get3A_392 : vector<1x1x16xf32> to vector<16xf32>
      %mul3A_394 = arith.constant 11.3137083 : f32
      %mul3A_395 = vector.broadcast %mul3A_394 : f32 to vector<16xf32>
      %mul3A_396 = arith.mulf %get3A_393, %mul3A_395 : vector<16xf32>
      %add3A_397 = arith.constant 32 : i32
      %add3A_398 = arith.addi %mul3A_345, %add3A_397 : i32
      %get3A_399 = arith.index_cast %add3A_398 : i32 to index
      %get3A_400 = tpu.vector_load %arg9[%get3A_399] {strides = array<i32>} : memref<32768xf32, #tpu.memory_space<vmem>>, vector<16xf32>,
      %get3A_401 = vector.shape_cast %get3A_400 : vector<16xf32> to vector<16xf32>
      %add3A_402 = arith.addf %mul3A_396, %get3A_401 : vector<16xf32>
      %swap3A_403 = arith.constant 0 : i32
      %swap3A_404 = arith.index_cast %swap3A_403 : i32 to index
      %swap3A_405 = arith.index_cast %scan3A_341 : i32 to index
      %swap3A_406 = arith.constant 32 : index
      %swap3A_407 = tpu.vector_load %arg8[%swap3A_404, %swap3A_405, %swap3A_406] {strides = array<i32>} : memref<4x64x128xf32, #tpu.memory_space<vmem>>, vector<1x1x16xf32>,
      %swap3A_408 = vector.shape_cast %swap3A_407 : vector<1x1x16xf32> to vector<16xf32>
      %swap3A_409 = vector.shape_cast %add3A_402 : vector<16xf32> to vector<1x1x16xf32>
      tpu.vector_store %arg8[%swap3A_404, %swap3A_405, %swap3A_406], %swap3A_409 {strides = array<i32>} : memref<4x64x128xf32, #tpu.memory_space<vmem>>, vector<1x1x16xf32>,
      %get3A_410 = arith.constant 0 : i32
      %get3A_411 = arith.index_cast %get3A_410 : i32 to index
      %get3A_412 = arith.index_cast %scan3A_341 : i32 to index
      %get3A_413 = arith.constant 48 : index
      %get3A_414 = tpu.vector_load %arg7[%get3A_411, %get3A_412, %get3A_413] {strides = array<i32>} : memref<4x64x128xf32, #tpu.memory_space<vmem>>, vector<1x1x16xf32>,
      %get3A_415 = vector.shape_cast %get3A_414 : vector<1x1x16xf32> to vector<16xf32>
      %mul3A_416 = arith.constant 11.3137083 : f32
      %mul3A_417 = vector.broadcast %mul3A_416 : f32 to vector<16xf32>
      %mul3A_418 = arith.mulf %get3A_415, %mul3A_417 : vector<16xf32>
      %add3A_419 = arith.constant 48 : i32
      %add3A_420 = arith.addi %mul3A_345, %add3A_419 : i32
      %get3A_421 = arith.index_cast %add3A_420 : i32 to index
      %get3A_422 = tpu.vector_load %arg9[%get3A_421] {strides = array<i32>} : memref<32768xf32, #tpu.memory_space<vmem>>, vector<16xf32>,
      %get3A_423 = vector.shape_cast %get3A_422 : vector<16xf32> to vector<16xf32>
      %add3A_424 = arith.addf %mul3A_418, %get3A_423 : vector<16xf32>
      %swap3A_425 = arith.constant 0 : i32
      %swap3A_426 = arith.index_cast %swap3A_425 : i32 to index
      %swap3A_427 = arith.index_cast %scan3A_341 : i32 to index
      %swap3A_428 = arith.constant 48 : index
      %swap3A_429 = tpu.vector_load %arg8[%swap3A_426, %swap3A_427, %swap3A_428] {strides = array<i32>} : memref<4x64x128xf32, #tpu.memory_space<vmem>>, vector<1x1x16xf32>,
      %swap3A_430 = vector.shape_cast %swap3A_429 : vector<1x1x16xf32> to vector<16xf32>
      %swap3A_431 = vector.shape_cast %add3A_424 : vector<16xf32> to vector<1x1x16xf32>
      tpu.vector_store %arg8[%swap3A_426, %swap3A_427, %swap3A_428], %swap3A_431 {strides = array<i32>} : memref<4x64x128xf32, #tpu.memory_space<vmem>>, vector<1x1x16xf32>,
      %get3A_432 = arith.constant 0 : i32
      %get3A_433 = arith.index_cast %get3A_432 : i32 to index
      %get3A_434 = arith.index_cast %scan3A_341 : i32 to index
      %get3A_435 = arith.constant 64 : index
      %get3A_436 = tpu.vector_load %arg7[%get3A_433, %get3A_434, %get3A_435] {strides = array<i32>} : memref<4x64x128xf32, #tpu.memory_space<vmem>>, vector<1x1x16xf32>,
      %get3A_437 = vector.shape_cast %get3A_436 : vector<1x1x16xf32> to vector<16xf32>
      %mul3A_438 = arith.constant 11.3137083 : f32
      %mul3A_439 = vector.broadcast %mul3A_438 : f32 to vector<16xf32>
      %mul3A_440 = arith.mulf %get3A_437, %mul3A_439 : vector<16xf32>
      %add3A_441 = arith.constant 64 : i32
      %add3A_442 = arith.addi %mul3A_345, %add3A_441 : i32
      %get3A_443 = arith.index_cast %add3A_442 : i32 to index
      %get3A_444 = tpu.vector_load %arg9[%get3A_443] {strides = array<i32>} : memref<32768xf32, #tpu.memory_space<vmem>>, vector<16xf32>,
      %get3A_445 = vector.shape_cast %get3A_444 : vector<16xf32> to vector<16xf32>
      %add3A_446 = arith.addf %mul3A_440, %get3A_445 : vector<16xf32>
      %swap3A_447 = arith.constant 0 : i32
      %swap3A_448 = arith.index_cast %swap3A_447 : i32 to index
      %swap3A_449 = arith.index_cast %scan3A_341 : i32 to index
      %swap3A_450 = arith.constant 64 : index
      %swap3A_451 = tpu.vector_load %arg8[%swap3A_448, %swap3A_449, %swap3A_450] {strides = array<i32>} : memref<4x64x128xf32, #tpu.memory_space<vmem>>, vector<1x1x16xf32>,
      %swap3A_452 = vector.shape_cast %swap3A_451 : vector<1x1x16xf32> to vector<16xf32>
      %swap3A_453 = vector.shape_cast %add3A_446 : vector<16xf32> to vector<1x1x16xf32>
      tpu.vector_store %arg8[%swap3A_448, %swap3A_449, %swap3A_450], %swap3A_453 {strides = array<i32>} : memref<4x64x128xf32, #tpu.memory_space<vmem>>, vector<1x1x16xf32>,
      %get3A_454 = arith.constant 0 : i32
      %get3A_455 = arith.index_cast %get3A_454 : i32 to index
      %get3A_456 = arith.index_cast %scan3A_341 : i32 to index
      %get3A_457 = arith.constant 80 : index
      %get3A_458 = tpu.vector_load %arg7[%get3A_455, %get3A_456, %get3A_457] {strides = array<i32>} : memref<4x64x128xf32, #tpu.memory_space<vmem>>, vector<1x1x16xf32>,
      %get3A_459 = vector.shape_cast %get3A_458 : vector<1x1x16xf32> to vector<16xf32>
      %mul3A_460 = arith.constant 11.3137083 : f32
      %mul3A_461 = vector.broadcast %mul3A_460 : f32 to vector<16xf32>
      %mul3A_462 = arith.mulf %get3A_459, %mul3A_461 : vector<16xf32>
      %add3A_463 = arith.constant 80 : i32
      %add3A_464 = arith.addi %mul3A_345, %add3A_463 : i32
      %get3A_465 = arith.index_cast %add3A_464 : i32 to index
      %get3A_466 = tpu.vector_load %arg9[%get3A_465] {strides = array<i32>} : memref<32768xf32, #tpu.memory_space<vmem>>, vector<16xf32>,
      %get3A_467 = vector.shape_cast %get3A_466 : vector<16xf32> to vector<16xf32>
      %add3A_468 = arith.addf %mul3A_462, %get3A_467 : vector<16xf32>
      %swap3A_469 = arith.constant 0 : i32
      %swap3A_470 = arith.index_cast %swap3A_469 : i32 to index
      %swap3A_471 = arith.index_cast %scan3A_341 : i32 to index
      %swap3A_472 = arith.constant 80 : index
      %swap3A_473 = tpu.vector_load %arg8[%swap3A_470, %swap3A_471, %swap3A_472] {strides = array<i32>} : memref<4x64x128xf32, #tpu.memory_space<vmem>>, vector<1x1x16xf32>,
      %swap3A_474 = vector.shape_cast %swap3A_473 : vector<1x1x16xf32> to vector<16xf32>
      %swap3A_475 = vector.shape_cast %add3A_468 : vector<16xf32> to vector<1x1x16xf32>
      tpu.vector_store %arg8[%swap3A_470, %swap3A_471, %swap3A_472], %swap3A_475 {strides = array<i32>} : memref<4x64x128xf32, #tpu.memory_space<vmem>>, vector<1x1x16xf32>,
      %get3A_476 = arith.constant 0 : i32
      %get3A_477 = arith.index_cast %get3A_476 : i32 to index
      %get3A_478 = arith.index_cast %scan3A_341 : i32 to index
      %get3A_479 = arith.constant 96 : index
      %get3A_480 = tpu.vector_load %arg7[%get3A_477, %get3A_478, %get3A_479] {strides = array<i32>} : memref<4x64x128xf32, #tpu.memory_space<vmem>>, vector<1x1x16xf32>,
      %get3A_481 = vector.shape_cast %get3A_480 : vector<1x1x16xf32> to vector<16xf32>
      %mul3A_482 = arith.constant 11.3137083 : f32
      %mul3A_483 = vector.broadcast %mul3A_482 : f32 to vector<16xf32>
      %mul3A_484 = arith.mulf %get3A_481, %mul3A_483 : vector<16xf32>
      %add3A_485 = arith.constant 96 : i32
      %add3A_486 = arith.addi %mul3A_345, %add3A_485 : i32
      %get3A_487 = arith.index_cast %add3A_486 : i32 to index
      %get3A_488 = tpu.vector_load %arg9[%get3A_487] {strides = array<i32>} : memref<32768xf32, #tpu.memory_space<vmem>>, vector<16xf32>,
      %get3A_489 = vector.shape_cast %get3A_488 : vector<16xf32> to vector<16xf32>
      %add3A_490 = arith.addf %mul3A_484, %get3A_489 : vector<16xf32>
      %swap3A_491 = arith.constant 0 : i32
      %swap3A_492 = arith.index_cast %swap3A_491 : i32 to index
      %swap3A_493 = arith.index_cast %scan3A_341 : i32 to index
      %swap3A_494 = arith.constant 96 : index
      %swap3A_495 = tpu.vector_load %arg8[%swap3A_492, %swap3A_493, %swap3A_494] {strides = array<i32>} : memref<4x64x128xf32, #tpu.memory_space<vmem>>, vector<1x1x16xf32>,
      %swap3A_496 = vector.shape_cast %swap3A_495 : vector<1x1x16xf32> to vector<16xf32>
      %swap3A_497 = vector.shape_cast %add3A_490 : vector<16xf32> to vector<1x1x16xf32>
      tpu.vector_store %arg8[%swap3A_492, %swap3A_493, %swap3A_494], %swap3A_497 {strides = array<i32>} : memref<4x64x128xf32, #tpu.memory_space<vmem>>, vector<1x1x16xf32>,
      %get3A_498 = arith.constant 0 : i32
      %get3A_499 = arith.index_cast %get3A_498 : i32 to index
      %get3A_500 = arith.index_cast %scan3A_341 : i32 to index
      %get3A_501 = arith.constant 112 : index
      %get3A_502 = tpu.vector_load %arg7[%get3A_499, %get3A_500, %get3A_501] {strides = array<i32>} : memref<4x64x128xf32, #tpu.memory_space<vmem>>, vector<1x1x16xf32>,
      %get3A_503 = vector.shape_cast %get3A_502 : vector<1x1x16xf32> to vector<16xf32>
      %mul3A_504 = arith.constant 11.3137083 : f32
      %mul3A_505 = vector.broadcast %mul3A_504 : f32 to vector<16xf32>
      %mul3A_506 = arith.mulf %get3A_503, %mul3A_505 : vector<16xf32>
      %add3A_507 = arith.constant 112 : i32
      %add3A_508 = arith.addi %mul3A_345, %add3A_507 : i32
      %get3A_509 = arith.index_cast %add3A_508 : i32 to index
      %get3A_510 = tpu.vector_load %arg9[%get3A_509] {strides = array<i32>} : memref<32768xf32, #tpu.memory_space<vmem>>, vector<16xf32>,
      %get3A_511 = vector.shape_cast %get3A_510 : vector<16xf32> to vector<16xf32>
      %add3A_512 = arith.addf %mul3A_506, %get3A_511 : vector<16xf32>
      %swap3A_513 = arith.constant 0 : i32
      %swap3A_514 = arith.index_cast %swap3A_513 : i32 to index
      %swap3A_515 = arith.index_cast %scan3A_341 : i32 to index
      %swap3A_516 = arith.constant 112 : index
      %swap3A_517 = tpu.vector_load %arg8[%swap3A_514, %swap3A_515, %swap3A_516] {strides = array<i32>} : memref<4x64x128xf32, #tpu.memory_space<vmem>>, vector<1x1x16xf32>,
      %swap3A_518 = vector.shape_cast %swap3A_517 : vector<1x1x16xf32> to vector<16xf32>
      %swap3A_519 = vector.shape_cast %add3A_512 : vector<16xf32> to vector<1x1x16xf32>
      tpu.vector_store %arg8[%swap3A_514, %swap3A_515, %swap3A_516], %swap3A_519 {strides = array<i32>} : memref<4x64x128xf32, #tpu.memory_space<vmem>>, vector<1x1x16xf32>,
    }
    %scan3A_134 = arith.constant 64 : i32
    %add3A_135 = arith.constant 0 : i32
    %add3A_136 = arith.addi %mul3A_20, %add3A_135 : i32
    %dma_start3A_137 = arith.constant 0 : i32
    %dma_start3A_138 = arith.constant 0 : i32
    %dma_start3A_139 = arith.constant 0 : i32
    %dma_start3A_140 = tpu.memref_slice %arg8[%dma_start3A_137, %dma_start3A_138, %dma_start3A_139] : memref<4x64x128xf32, #tpu.memory_space<vmem>> -> memref<1x64x128xf32, #tpu.memory_space<vmem>>
    %dma_start3A_141 = tpu.memref_squeeze %dma_start3A_140 : memref<1x64x128xf32, #tpu.memory_space<vmem>> -> memref<64x128xf32, #tpu.memory_space<vmem>>
    %dma_start3A_142 = arith.constant 0 : i32
    %dma_start3A_143 = tpu.memref_slice %arg5[%select_n3A, %add3A_136, %dma_start3A_142] : memref<4x2048x128xf32, #tpu.memory_space<hbm>> -> memref<1x64x128xf32, #tpu.memory_space<hbm>>
    %dma_start3A_144 = tpu.memref_squeeze %dma_start3A_143 : memref<1x64x128xf32, #tpu.memory_space<hbm>> -> memref<64x128xf32, #tpu.memory_space<hbm>>
    %dma_start3A_145 = arith.constant 0 : i32
    %dma_start3A_146 = tpu.memref_slice %arg5[%select_n3A, %add3A_136, %dma_start3A_145] : memref<4x2048x128xf32, #tpu.memory_space<hbm>> -> memref<1x64x128xf32, #tpu.memory_space<hbm>>
    %dma_start3A_147 = tpu.memref_squeeze %dma_start3A_146 : memref<1x64x128xf32, #tpu.memory_space<hbm>> -> memref<64x128xf32, #tpu.memory_space<hbm>>
    %dma_start3A_148 = arith.constant 0 : i32
    %dma_start3A_149 = arith.constant 0 : i32
    %dma_start3A_150 = tpu.memref_slice %arg8[%dma_start3A_137, %dma_start3A_148, %dma_start3A_149] : memref<4x64x128xf32, #tpu.memory_space<vmem>> -> memref<1x64x128xf32, #tpu.memory_space<vmem>>
    %dma_start3A_151 = tpu.memref_squeeze %dma_start3A_150 : memref<1x64x128xf32, #tpu.memory_space<vmem>> -> memref<64x128xf32, #tpu.memory_space<vmem>>
    tpu.enqueue_dma source(%dma_start3A_151 : memref<64x128xf32, #tpu.memory_space<vmem>>) target(%dma_start3A_147 : memref<64x128xf32, #tpu.memory_space<hbm>>) target_semaphore(%arg19 : memref<!tpu.dma_semaphore, #tpu.memory_space<semaphore_mem>>)
    %dma_wait3A_152 = arith.constant 1 : i32
    %dma_wait3A_153 = arith.constant 0 : i32
    %dma_wait3A_154 = arith.constant 0 : i32
    %dma_wait3A_155 = tpu.memref_slice %arg7[%dma_wait3A_152, %dma_wait3A_153, %dma_wait3A_154] : memref<4x64x128xf32, #tpu.memory_space<vmem>> -> memref<1x64x128xf32, #tpu.memory_space<vmem>>
    %dma_wait3A_156 = tpu.memref_squeeze %dma_wait3A_155 : memref<1x64x128xf32, #tpu.memory_space<vmem>> -> memref<64x128xf32, #tpu.memory_space<vmem>>
    %dma_wait3A_157 = arith.constant 64 : i32
    %dma_wait3A_158 = tpu.memref_slice %arg6[%dma_wait3A_157] : memref<256xi32, #tpu.memory_space<vmem>> -> memref<64xi32, #tpu.memory_space<vmem>>
    %dma_wait3A_159 = arith.constant 0 : i32
    %dma_wait3A_160 = arith.constant 0 : i32
    %dma_wait3A_161 = tpu.memref_slice %arg2[%dma_wait3A_159, %dma_wait3A_160] : memref<1000000x128xf32, #tpu.memory_space<hbm>> -> memref<1000000x128xf32, #tpu.memory_space<hbm>>
    tpu.wait_indirect_dma semaphore(%arg12 : memref<!tpu.dma_semaphore, #tpu.memory_space<semaphore_mem>>) src(%dma_wait3A_161 : memref<1000000x128xf32, #tpu.memory_space<hbm>>) dst(%dma_wait3A_156 : memref<64x128xf32, #tpu.memory_space<vmem>>)
    %dma_wait3A_162 = arith.constant 8192 : i32
    %dma_wait3A_163 = tpu.memref_slice %arg9[%dma_wait3A_162] : memref<32768xf32, #tpu.memory_space<vmem>> -> memref<8192xf32, #tpu.memory_space<vmem>>
    %dma_wait3A_164 = arith.constant 8192 : i32
    %dma_wait3A_165 = tpu.memref_slice %arg10[%rem3A_70, %dma_wait3A_164] : memref<4x32768xf32, #tpu.memory_space<vmem_shared>> -> memref<1x8192xf32, #tpu.memory_space<vmem_shared>>
    %dma_wait3A_166 = tpu.memref_squeeze %dma_wait3A_165 : memref<1x8192xf32, #tpu.memory_space<vmem_shared>> -> memref<8192xf32, #tpu.memory_space<vmem_shared>>
    %dma_wait3A_167 = arith.constant 8192 : i32
    %dma_wait3A_168 = tpu.memref_slice %arg9[%dma_wait3A_167] : memref<32768xf32, #tpu.memory_space<vmem>> -> memref<8192xf32, #tpu.memory_space<vmem>>
    %dma_wait3A_169 = arith.constant 8192 : i32
    %dma_wait3A_170 = tpu.memref_slice %arg10[%rem3A_70, %dma_wait3A_169] : memref<4x32768xf32, #tpu.memory_space<vmem_shared>> -> memref<1x8192xf32, #tpu.memory_space<vmem_shared>>
    %dma_wait3A_171 = tpu.memref_squeeze %dma_wait3A_170 : memref<1x8192xf32, #tpu.memory_space<vmem_shared>> -> memref<8192xf32, #tpu.memory_space<vmem_shared>>
    tpu.wait_dma2 semaphore(%arg16 : memref<!tpu.dma_semaphore, #tpu.memory_space<semaphore_mem>>) src(%dma_wait3A_171 : memref<8192xf32, #tpu.memory_space<vmem_shared>>) dst(%dma_wait3A_168 : memref<8192xf32, #tpu.memory_space<vmem>>)
    %scan3A_172 = arith.constant 0 : i32
    %scan3A_173 = arith.constant 0 : i32
    %scan3A_174 = arith.constant 64 : i32
    %scan3A_175 = arith.addi %scan3A_173, %scan3A_174 : i32
    %scan3A_176 = arith.constant 1 : i32
    scf.for %scan3A_341 = %scan3A_173 to %scan3A_175 step %scan3A_176  : i32 {
      %add3A_342 = arith.constant 64 : i32
      %add3A_343 = arith.addi %add3A_342, %scan3A_341 : i32
      %mul3A_344 = arith.constant 128 : i32
      %mul3A_345 = arith.muli %add3A_343, %mul3A_344 : i32
      %get3A = arith.constant 1 : i32
      %get3A_346 = arith.index_cast %get3A : i32 to index
      %get3A_347 = arith.index_cast %scan3A_341 : i32 to index
      %get3A_348 = arith.constant 0 : index
      %get3A_349 = tpu.vector_load %arg7[%get3A_346, %get3A_347, %get3A_348] {strides = array<i32>} : memref<4x64x128xf32, #tpu.memory_space<vmem>>, vector<1x1x16xf32>,
      %get3A_350 = vector.shape_cast %get3A_349 : vector<1x1x16xf32> to vector<16xf32>
      %mul3A_351 = arith.constant 11.3137083 : f32
      %mul3A_352 = vector.broadcast %mul3A_351 : f32 to vector<16xf32>
      %mul3A_353 = arith.mulf %get3A_350, %mul3A_352 : vector<16xf32>
      %add3A_354 = arith.constant 0 : i32
      %add3A_355 = arith.addi %mul3A_345, %add3A_354 : i32
      %get3A_356 = arith.index_cast %add3A_355 : i32 to index
      %get3A_357 = tpu.vector_load %arg9[%get3A_356] {strides = array<i32>} : memref<32768xf32, #tpu.memory_space<vmem>>, vector<16xf32>,
      %get3A_358 = vector.shape_cast %get3A_357 : vector<16xf32> to vector<16xf32>
      %add3A_359 = arith.addf %mul3A_353, %get3A_358 : vector<16xf32>
      %swap3A = arith.constant 1 : i32
      %swap3A_360 = arith.index_cast %swap3A : i32 to index
      %swap3A_361 = arith.index_cast %scan3A_341 : i32 to index
      %swap3A_362 = arith.constant 0 : index
      %swap3A_363 = tpu.vector_load %arg8[%swap3A_360, %swap3A_361, %swap3A_362] {strides = array<i32>} : memref<4x64x128xf32, #tpu.memory_space<vmem>>, vector<1x1x16xf32>,
      %swap3A_364 = vector.shape_cast %swap3A_363 : vector<1x1x16xf32> to vector<16xf32>
      %swap3A_365 = vector.shape_cast %add3A_359 : vector<16xf32> to vector<1x1x16xf32>
      tpu.vector_store %arg8[%swap3A_360, %swap3A_361, %swap3A_362], %swap3A_365 {strides = array<i32>} : memref<4x64x128xf32, #tpu.memory_space<vmem>>, vector<1x1x16xf32>,
      %get3A_366 = arith.constant 1 : i32
      %get3A_367 = arith.index_cast %get3A_366 : i32 to index
      %get3A_368 = arith.index_cast %scan3A_341 : i32 to index
      %get3A_369 = arith.constant 16 : index
      %get3A_370 = tpu.vector_load %arg7[%get3A_367, %get3A_368, %get3A_369] {strides = array<i32>} : memref<4x64x128xf32, #tpu.memory_space<vmem>>, vector<1x1x16xf32>,
      %get3A_371 = vector.shape_cast %get3A_370 : vector<1x1x16xf32> to vector<16xf32>
      %mul3A_372 = arith.constant 11.3137083 : f32
      %mul3A_373 = vector.broadcast %mul3A_372 : f32 to vector<16xf32>
      %mul3A_374 = arith.mulf %get3A_371, %mul3A_373 : vector<16xf32>
      %add3A_375 = arith.constant 16 : i32
      %add3A_376 = arith.addi %mul3A_345, %add3A_375 : i32
      %get3A_377 = arith.index_cast %add3A_376 : i32 to index
      %get3A_378 = tpu.vector_load %arg9[%get3A_377] {strides = array<i32>} : memref<32768xf32, #tpu.memory_space<vmem>>, vector<16xf32>,
      %get3A_379 = vector.shape_cast %get3A_378 : vector<16xf32> to vector<16xf32>
      %add3A_380 = arith.addf %mul3A_374, %get3A_379 : vector<16xf32>
      %swap3A_381 = arith.constant 1 : i32
      %swap3A_382 = arith.index_cast %swap3A_381 : i32 to index
      %swap3A_383 = arith.index_cast %scan3A_341 : i32 to index
      %swap3A_384 = arith.constant 16 : index
      %swap3A_385 = tpu.vector_load %arg8[%swap3A_382, %swap3A_383, %swap3A_384] {strides = array<i32>} : memref<4x64x128xf32, #tpu.memory_space<vmem>>, vector<1x1x16xf32>,
      %swap3A_386 = vector.shape_cast %swap3A_385 : vector<1x1x16xf32> to vector<16xf32>
      %swap3A_387 = vector.shape_cast %add3A_380 : vector<16xf32> to vector<1x1x16xf32>
      tpu.vector_store %arg8[%swap3A_382, %swap3A_383, %swap3A_384], %swap3A_387 {strides = array<i32>} : memref<4x64x128xf32, #tpu.memory_space<vmem>>, vector<1x1x16xf32>,
      %get3A_388 = arith.constant 1 : i32
      %get3A_389 = arith.index_cast %get3A_388 : i32 to index
      %get3A_390 = arith.index_cast %scan3A_341 : i32 to index
      %get3A_391 = arith.constant 32 : index
      %get3A_392 = tpu.vector_load %arg7[%get3A_389, %get3A_390, %get3A_391] {strides = array<i32>} : memref<4x64x128xf32, #tpu.memory_space<vmem>>, vector<1x1x16xf32>,
      %get3A_393 = vector.shape_cast %get3A_392 : vector<1x1x16xf32> to vector<16xf32>
      %mul3A_394 = arith.constant 11.3137083 : f32
      %mul3A_395 = vector.broadcast %mul3A_394 : f32 to vector<16xf32>
      %mul3A_396 = arith.mulf %get3A_393, %mul3A_395 : vector<16xf32>
      %add3A_397 = arith.constant 32 : i32
      %add3A_398 = arith.addi %mul3A_345, %add3A_397 : i32
      %get3A_399 = arith.index_cast %add3A_398 : i32 to index
      %get3A_400 = tpu.vector_load %arg9[%get3A_399] {strides = array<i32>} : memref<32768xf32, #tpu.memory_space<vmem>>, vector<16xf32>,
      %get3A_401 = vector.shape_cast %get3A_400 : vector<16xf32> to vector<16xf32>
      %add3A_402 = arith.addf %mul3A_396, %get3A_401 : vector<16xf32>
      %swap3A_403 = arith.constant 1 : i32
      %swap3A_404 = arith.index_cast %swap3A_403 : i32 to index
      %swap3A_405 = arith.index_cast %scan3A_341 : i32 to index
      %swap3A_406 = arith.constant 32 : index
      %swap3A_407 = tpu.vector_load %arg8[%swap3A_404, %swap3A_405, %swap3A_406] {strides = array<i32>} : memref<4x64x128xf32, #tpu.memory_space<vmem>>, vector<1x1x16xf32>,
      %swap3A_408 = vector.shape_cast %swap3A_407 : vector<1x1x16xf32> to vector<16xf32>
      %swap3A_409 = vector.shape_cast %add3A_402 : vector<16xf32> to vector<1x1x16xf32>
      tpu.vector_store %arg8[%swap3A_404, %swap3A_405, %swap3A_406], %swap3A_409 {strides = array<i32>} : memref<4x64x128xf32, #tpu.memory_space<vmem>>, vector<1x1x16xf32>,
      %get3A_410 = arith.constant 1 : i32
      %get3A_411 = arith.index_cast %get3A_410 : i32 to index
      %get3A_412 = arith.index_cast %scan3A_341 : i32 to index
      %get3A_413 = arith.constant 48 : index
      %get3A_414 = tpu.vector_load %arg7[%get3A_411, %get3A_412, %get3A_413] {strides = array<i32>} : memref<4x64x128xf32, #tpu.memory_space<vmem>>, vector<1x1x16xf32>,
      %get3A_415 = vector.shape_cast %get3A_414 : vector<1x1x16xf32> to vector<16xf32>
      %mul3A_416 = arith.constant 11.3137083 : f32
      %mul3A_417 = vector.broadcast %mul3A_416 : f32 to vector<16xf32>
      %mul3A_418 = arith.mulf %get3A_415, %mul3A_417 : vector<16xf32>
      %add3A_419 = arith.constant 48 : i32
      %add3A_420 = arith.addi %mul3A_345, %add3A_419 : i32
      %get3A_421 = arith.index_cast %add3A_420 : i32 to index
      %get3A_422 = tpu.vector_load %arg9[%get3A_421] {strides = array<i32>} : memref<32768xf32, #tpu.memory_space<vmem>>, vector<16xf32>,
      %get3A_423 = vector.shape_cast %get3A_422 : vector<16xf32> to vector<16xf32>
      %add3A_424 = arith.addf %mul3A_418, %get3A_423 : vector<16xf32>
      %swap3A_425 = arith.constant 1 : i32
      %swap3A_426 = arith.index_cast %swap3A_425 : i32 to index
      %swap3A_427 = arith.index_cast %scan3A_341 : i32 to index
      %swap3A_428 = arith.constant 48 : index
      %swap3A_429 = tpu.vector_load %arg8[%swap3A_426, %swap3A_427, %swap3A_428] {strides = array<i32>} : memref<4x64x128xf32, #tpu.memory_space<vmem>>, vector<1x1x16xf32>,
      %swap3A_430 = vector.shape_cast %swap3A_429 : vector<1x1x16xf32> to vector<16xf32>
      %swap3A_431 = vector.shape_cast %add3A_424 : vector<16xf32> to vector<1x1x16xf32>
      tpu.vector_store %arg8[%swap3A_426, %swap3A_427, %swap3A_428], %swap3A_431 {strides = array<i32>} : memref<4x64x128xf32, #tpu.memory_space<vmem>>, vector<1x1x16xf32>,
      %get3A_432 = arith.constant 1 : i32
      %get3A_433 = arith.index_cast %get3A_432 : i32 to index
      %get3A_434 = arith.index_cast %scan3A_341 : i32 to index
      %get3A_435 = arith.constant 64 : index
      %get3A_436 = tpu.vector_load %arg7[%get3A_433, %get3A_434, %get3A_435] {strides = array<i32>} : memref<4x64x128xf32, #tpu.memory_space<vmem>>, vector<1x1x16xf32>,
      %get3A_437 = vector.shape_cast %get3A_436 : vector<1x1x16xf32> to vector<16xf32>
      %mul3A_438 = arith.constant 11.3137083 : f32
      %mul3A_439 = vector.broadcast %mul3A_438 : f32 to vector<16xf32>
      %mul3A_440 = arith.mulf %get3A_437, %mul3A_439 : vector<16xf32>
      %add3A_441 = arith.constant 64 : i32
      %add3A_442 = arith.addi %mul3A_345, %add3A_441 : i32
      %get3A_443 = arith.index_cast %add3A_442 : i32 to index
      %get3A_444 = tpu.vector_load %arg9[%get3A_443] {strides = array<i32>} : memref<32768xf32, #tpu.memory_space<vmem>>, vector<16xf32>,
      %get3A_445 = vector.shape_cast %get3A_444 : vector<16xf32> to vector<16xf32>
      %add3A_446 = arith.addf %mul3A_440, %get3A_445 : vector<16xf32>
      %swap3A_447 = arith.constant 1 : i32
      %swap3A_448 = arith.index_cast %swap3A_447 : i32 to index
      %swap3A_449 = arith.index_cast %scan3A_341 : i32 to index
      %swap3A_450 = arith.constant 64 : index
      %swap3A_451 = tpu.vector_load %arg8[%swap3A_448, %swap3A_449, %swap3A_450] {strides = array<i32>} : memref<4x64x128xf32, #tpu.memory_space<vmem>>, vector<1x1x16xf32>,
      %swap3A_452 = vector.shape_cast %swap3A_451 : vector<1x1x16xf32> to vector<16xf32>
      %swap3A_453 = vector.shape_cast %add3A_446 : vector<16xf32> to vector<1x1x16xf32>
      tpu.vector_store %arg8[%swap3A_448, %swap3A_449, %swap3A_450], %swap3A_453 {strides = array<i32>} : memref<4x64x128xf32, #tpu.memory_space<vmem>>, vector<1x1x16xf32>,
      %get3A_454 = arith.constant 1 : i32
      %get3A_455 = arith.index_cast %get3A_454 : i32 to index
      %get3A_456 = arith.index_cast %scan3A_341 : i32 to index
      %get3A_457 = arith.constant 80 : index
      %get3A_458 = tpu.vector_load %arg7[%get3A_455, %get3A_456, %get3A_457] {strides = array<i32>} : memref<4x64x128xf32, #tpu.memory_space<vmem>>, vector<1x1x16xf32>,
      %get3A_459 = vector.shape_cast %get3A_458 : vector<1x1x16xf32> to vector<16xf32>
      %mul3A_460 = arith.constant 11.3137083 : f32
      %mul3A_461 = vector.broadcast %mul3A_460 : f32 to vector<16xf32>
      %mul3A_462 = arith.mulf %get3A_459, %mul3A_461 : vector<16xf32>
      %add3A_463 = arith.constant 80 : i32
      %add3A_464 = arith.addi %mul3A_345, %add3A_463 : i32
      %get3A_465 = arith.index_cast %add3A_464 : i32 to index
      %get3A_466 = tpu.vector_load %arg9[%get3A_465] {strides = array<i32>} : memref<32768xf32, #tpu.memory_space<vmem>>, vector<16xf32>,
      %get3A_467 = vector.shape_cast %get3A_466 : vector<16xf32> to vector<16xf32>
      %add3A_468 = arith.addf %mul3A_462, %get3A_467 : vector<16xf32>
      %swap3A_469 = arith.constant 1 : i32
      %swap3A_470 = arith.index_cast %swap3A_469 : i32 to index
      %swap3A_471 = arith.index_cast %scan3A_341 : i32 to index
      %swap3A_472 = arith.constant 80 : index
      %swap3A_473 = tpu.vector_load %arg8[%swap3A_470, %swap3A_471, %swap3A_472] {strides = array<i32>} : memref<4x64x128xf32, #tpu.memory_space<vmem>>, vector<1x1x16xf32>,
      %swap3A_474 = vector.shape_cast %swap3A_473 : vector<1x1x16xf32> to vector<16xf32>
      %swap3A_475 = vector.shape_cast %add3A_468 : vector<16xf32> to vector<1x1x16xf32>
      tpu.vector_store %arg8[%swap3A_470, %swap3A_471, %swap3A_472], %swap3A_475 {strides = array<i32>} : memref<4x64x128xf32, #tpu.memory_space<vmem>>, vector<1x1x16xf32>,
      %get3A_476 = arith.constant 1 : i32
      %get3A_477 = arith.index_cast %get3A_476 : i32 to index
      %get3A_478 = arith.index_cast %scan3A_341 : i32 to index
      %get3A_479 = arith.constant 96 : index
      %get3A_480 = tpu.vector_load %arg7[%get3A_477, %get3A_478, %get3A_479] {strides = array<i32>} : memref<4x64x128xf32, #tpu.memory_space<vmem>>, vector<1x1x16xf32>,
      %get3A_481 = vector.shape_cast %get3A_480 : vector<1x1x16xf32> to vector<16xf32>
      %mul3A_482 = arith.constant 11.3137083 : f32
      %mul3A_483 = vector.broadcast %mul3A_482 : f32 to vector<16xf32>
      %mul3A_484 = arith.mulf %get3A_481, %mul3A_483 : vector<16xf32>
      %add3A_485 = arith.constant 96 : i32
      %add3A_486 = arith.addi %mul3A_345, %add3A_485 : i32
      %get3A_487 = arith.index_cast %add3A_486 : i32 to index
      %get3A_488 = tpu.vector_load %arg9[%get3A_487] {strides = array<i32>} : memref<32768xf32, #tpu.memory_space<vmem>>, vector<16xf32>,
      %get3A_489 = vector.shape_cast %get3A_488 : vector<16xf32> to vector<16xf32>
      %add3A_490 = arith.addf %mul3A_484, %get3A_489 : vector<16xf32>
      %swap3A_491 = arith.constant 1 : i32
      %swap3A_492 = arith.index_cast %swap3A_491 : i32 to index
      %swap3A_493 = arith.index_cast %scan3A_341 : i32 to index
      %swap3A_494 = arith.constant 96 : index
      %swap3A_495 = tpu.vector_load %arg8[%swap3A_492, %swap3A_493, %swap3A_494] {strides = array<i32>} : memref<4x64x128xf32, #tpu.memory_space<vmem>>, vector<1x1x16xf32>,
      %swap3A_496 = vector.shape_cast %swap3A_495 : vector<1x1x16xf32> to vector<16xf32>
      %swap3A_497 = vector.shape_cast %add3A_490 : vector<16xf32> to vector<1x1x16xf32>
      tpu.vector_store %arg8[%swap3A_492, %swap3A_493, %swap3A_494], %swap3A_497 {strides = array<i32>} : memref<4x64x128xf32, #tpu.memory_space<vmem>>, vector<1x1x16xf32>,
      %get3A_498 = arith.constant 1 : i32
      %get3A_499 = arith.index_cast %get3A_498 : i32 to index
      %get3A_500 = arith.index_cast %scan3A_341 : i32 to index
      %get3A_501 = arith.constant 112 : index
      %get3A_502 = tpu.vector_load %arg7[%get3A_499, %get3A_500, %get3A_501] {strides = array<i32>} : memref<4x64x128xf32, #tpu.memory_space<vmem>>, vector<1x1x16xf32>,
      %get3A_503 = vector.shape_cast %get3A_502 : vector<1x1x16xf32> to vector<16xf32>
      %mul3A_504 = arith.constant 11.3137083 : f32
      %mul3A_505 = vector.broadcast %mul3A_504 : f32 to vector<16xf32>
      %mul3A_506 = arith.mulf %get3A_503, %mul3A_505 : vector<16xf32>
      %add3A_507 = arith.constant 112 : i32
      %add3A_508 = arith.addi %mul3A_345, %add3A_507 : i32
      %get3A_509 = arith.index_cast %add3A_508 : i32 to index
      %get3A_510 = tpu.vector_load %arg9[%get3A_509] {strides = array<i32>} : memref<32768xf32, #tpu.memory_space<vmem>>, vector<16xf32>,
      %get3A_511 = vector.shape_cast %get3A_510 : vector<16xf32> to vector<16xf32>
      %add3A_512 = arith.addf %mul3A_506, %get3A_511 : vector<16xf32>
      %swap3A_513 = arith.constant 1 : i32
      %swap3A_514 = arith.index_cast %swap3A_513 : i32 to index
      %swap3A_515 = arith.index_cast %scan3A_341 : i32 to index
      %swap3A_516 = arith.constant 112 : index
      %swap3A_517 = tpu.vector_load %arg8[%swap3A_514, %swap3A_515, %swap3A_516] {strides = array<i32>} : memref<4x64x128xf32, #tpu.memory_space<vmem>>, vector<1x1x16xf32>,
      %swap3A_518 = vector.shape_cast %swap3A_517 : vector<1x1x16xf32> to vector<16xf32>
      %swap3A_519 = vector.shape_cast %add3A_512 : vector<16xf32> to vector<1x1x16xf32>
      tpu.vector_store %arg8[%swap3A_514, %swap3A_515, %swap3A_516], %swap3A_519 {strides = array<i32>} : memref<4x64x128xf32, #tpu.memory_space<vmem>>, vector<1x1x16xf32>,
    }
    %scan3A_177 = arith.constant 64 : i32
    %add3A_178 = arith.constant 64 : i32
    %add3A_179 = arith.addi %mul3A_20, %add3A_178 : i32
    %dma_start3A_180 = arith.constant 1 : i32
    %dma_start3A_181 = arith.constant 0 : i32
    %dma_start3A_182 = arith.constant 0 : i32
    %dma_start3A_183 = tpu.memref_slice %arg8[%dma_start3A_180, %dma_start3A_181, %dma_start3A_182] : memref<4x64x128xf32, #tpu.memory_space<vmem>> -> memref<1x64x128xf32, #tpu.memory_space<vmem>>
    %dma_start3A_184 = tpu.memref_squeeze %dma_start3A_183 : memref<1x64x128xf32, #tpu.memory_space<vmem>> -> memref<64x128xf32, #tpu.memory_space<vmem>>
    %dma_start3A_185 = arith.constant 0 : i32
    %dma_start3A_186 = tpu.memref_slice %arg5[%select_n3A, %add3A_179, %dma_start3A_185] : memref<4x2048x128xf32, #tpu.memory_space<hbm>> -> memref<1x64x128xf32, #tpu.memory_space<hbm>>
    %dma_start3A_187 = tpu.memref_squeeze %dma_start3A_186 : memref<1x64x128xf32, #tpu.memory_space<hbm>> -> memref<64x128xf32, #tpu.memory_space<hbm>>
    %dma_start3A_188 = arith.constant 0 : i32
    %dma_start3A_189 = tpu.memref_slice %arg5[%select_n3A, %add3A_179, %dma_start3A_188] : memref<4x2048x128xf32, #tpu.memory_space<hbm>> -> memref<1x64x128xf32, #tpu.memory_space<hbm>>
    %dma_start3A_190 = tpu.memref_squeeze %dma_start3A_189 : memref<1x64x128xf32, #tpu.memory_space<hbm>> -> memref<64x128xf32, #tpu.memory_space<hbm>>
    %dma_start3A_191 = arith.constant 0 : i32
    %dma_start3A_192 = arith.constant 0 : i32
    %dma_start3A_193 = tpu.memref_slice %arg8[%dma_start3A_180, %dma_start3A_191, %dma_start3A_192] : memref<4x64x128xf32, #tpu.memory_space<vmem>> -> memref<1x64x128xf32, #tpu.memory_space<vmem>>
    %dma_start3A_194 = tpu.memref_squeeze %dma_start3A_193 : memref<1x64x128xf32, #tpu.memory_space<vmem>> -> memref<64x128xf32, #tpu.memory_space<vmem>>
    tpu.enqueue_dma source(%dma_start3A_194 : memref<64x128xf32, #tpu.memory_space<vmem>>) target(%dma_start3A_190 : memref<64x128xf32, #tpu.memory_space<hbm>>) target_semaphore(%arg19 : memref<!tpu.dma_semaphore, #tpu.memory_space<semaphore_mem>>)
    %dma_wait3A_195 = arith.constant 2 : i32
    %dma_wait3A_196 = arith.constant 0 : i32
    %dma_wait3A_197 = arith.constant 0 : i32
    %dma_wait3A_198 = tpu.memref_slice %arg7[%dma_wait3A_195, %dma_wait3A_196, %dma_wait3A_197] : memref<4x64x128xf32, #tpu.memory_space<vmem>> -> memref<1x64x128xf32, #tpu.memory_space<vmem>>
    %dma_wait3A_199 = tpu.memref_squeeze %dma_wait3A_198 : memref<1x64x128xf32, #tpu.memory_space<vmem>> -> memref<64x128xf32, #tpu.memory_space<vmem>>
    %dma_wait3A_200 = arith.constant 128 : i32
    %dma_wait3A_201 = tpu.memref_slice %arg6[%dma_wait3A_200] : memref<256xi32, #tpu.memory_space<vmem>> -> memref<64xi32, #tpu.memory_space<vmem>>
    %dma_wait3A_202 = arith.constant 0 : i32
    %dma_wait3A_203 = arith.constant 0 : i32
    %dma_wait3A_204 = tpu.memref_slice %arg2[%dma_wait3A_202, %dma_wait3A_203] : memref<1000000x128xf32, #tpu.memory_space<hbm>> -> memref<1000000x128xf32, #tpu.memory_space<hbm>>
    tpu.wait_indirect_dma semaphore(%arg13 : memref<!tpu.dma_semaphore, #tpu.memory_space<semaphore_mem>>) src(%dma_wait3A_204 : memref<1000000x128xf32, #tpu.memory_space<hbm>>) dst(%dma_wait3A_199 : memref<64x128xf32, #tpu.memory_space<vmem>>)
    %dma_wait3A_205 = arith.constant 16384 : i32
    %dma_wait3A_206 = tpu.memref_slice %arg9[%dma_wait3A_205] : memref<32768xf32, #tpu.memory_space<vmem>> -> memref<8192xf32, #tpu.memory_space<vmem>>
    %dma_wait3A_207 = arith.constant 16384 : i32
    %dma_wait3A_208 = tpu.memref_slice %arg10[%rem3A_70, %dma_wait3A_207] : memref<4x32768xf32, #tpu.memory_space<vmem_shared>> -> memref<1x8192xf32, #tpu.memory_space<vmem_shared>>
    %dma_wait3A_209 = tpu.memref_squeeze %dma_wait3A_208 : memref<1x8192xf32, #tpu.memory_space<vmem_shared>> -> memref<8192xf32, #tpu.memory_space<vmem_shared>>
    %dma_wait3A_210 = arith.constant 16384 : i32
    %dma_wait3A_211 = tpu.memref_slice %arg9[%dma_wait3A_210] : memref<32768xf32, #tpu.memory_space<vmem>> -> memref<8192xf32, #tpu.memory_space<vmem>>
    %dma_wait3A_212 = arith.constant 16384 : i32
    %dma_wait3A_213 = tpu.memref_slice %arg10[%rem3A_70, %dma_wait3A_212] : memref<4x32768xf32, #tpu.memory_space<vmem_shared>> -> memref<1x8192xf32, #tpu.memory_space<vmem_shared>>
    %dma_wait3A_214 = tpu.memref_squeeze %dma_wait3A_213 : memref<1x8192xf32, #tpu.memory_space<vmem_shared>> -> memref<8192xf32, #tpu.memory_space<vmem_shared>>
    tpu.wait_dma2 semaphore(%arg17 : memref<!tpu.dma_semaphore, #tpu.memory_space<semaphore_mem>>) src(%dma_wait3A_214 : memref<8192xf32, #tpu.memory_space<vmem_shared>>) dst(%dma_wait3A_211 : memref<8192xf32, #tpu.memory_space<vmem>>)
    %scan3A_215 = arith.constant 0 : i32
    %scan3A_216 = arith.constant 0 : i32
    %scan3A_217 = arith.constant 64 : i32
    %scan3A_218 = arith.addi %scan3A_216, %scan3A_217 : i32
    %scan3A_219 = arith.constant 1 : i32
    scf.for %scan3A_341 = %scan3A_216 to %scan3A_218 step %scan3A_219  : i32 {
      %add3A_342 = arith.constant 128 : i32
      %add3A_343 = arith.addi %add3A_342, %scan3A_341 : i32
      %mul3A_344 = arith.constant 128 : i32
      %mul3A_345 = arith.muli %add3A_343, %mul3A_344 : i32
      %get3A = arith.constant 2 : i32
      %get3A_346 = arith.index_cast %get3A : i32 to index
      %get3A_347 = arith.index_cast %scan3A_341 : i32 to index
      %get3A_348 = arith.constant 0 : index
      %get3A_349 = tpu.vector_load %arg7[%get3A_346, %get3A_347, %get3A_348] {strides = array<i32>} : memref<4x64x128xf32, #tpu.memory_space<vmem>>, vector<1x1x16xf32>,
      %get3A_350 = vector.shape_cast %get3A_349 : vector<1x1x16xf32> to vector<16xf32>
      %mul3A_351 = arith.constant 11.3137083 : f32
      %mul3A_352 = vector.broadcast %mul3A_351 : f32 to vector<16xf32>
      %mul3A_353 = arith.mulf %get3A_350, %mul3A_352 : vector<16xf32>
      %add3A_354 = arith.constant 0 : i32
      %add3A_355 = arith.addi %mul3A_345, %add3A_354 : i32
      %get3A_356 = arith.index_cast %add3A_355 : i32 to index
      %get3A_357 = tpu.vector_load %arg9[%get3A_356] {strides = array<i32>} : memref<32768xf32, #tpu.memory_space<vmem>>, vector<16xf32>,
      %get3A_358 = vector.shape_cast %get3A_357 : vector<16xf32> to vector<16xf32>
      %add3A_359 = arith.addf %mul3A_353, %get3A_358 : vector<16xf32>
      %swap3A = arith.constant 2 : i32
      %swap3A_360 = arith.index_cast %swap3A : i32 to index
      %swap3A_361 = arith.index_cast %scan3A_341 : i32 to index
      %swap3A_362 = arith.constant 0 : index
      %swap3A_363 = tpu.vector_load %arg8[%swap3A_360, %swap3A_361, %swap3A_362] {strides = array<i32>} : memref<4x64x128xf32, #tpu.memory_space<vmem>>, vector<1x1x16xf32>,
      %swap3A_364 = vector.shape_cast %swap3A_363 : vector<1x1x16xf32> to vector<16xf32>
      %swap3A_365 = vector.shape_cast %add3A_359 : vector<16xf32> to vector<1x1x16xf32>
      tpu.vector_store %arg8[%swap3A_360, %swap3A_361, %swap3A_362], %swap3A_365 {strides = array<i32>} : memref<4x64x128xf32, #tpu.memory_space<vmem>>, vector<1x1x16xf32>,
      %get3A_366 = arith.constant 2 : i32
      %get3A_367 = arith.index_cast %get3A_366 : i32 to index
      %get3A_368 = arith.index_cast %scan3A_341 : i32 to index
      %get3A_369 = arith.constant 16 : index
      %get3A_370 = tpu.vector_load %arg7[%get3A_367, %get3A_368, %get3A_369] {strides = array<i32>} : memref<4x64x128xf32, #tpu.memory_space<vmem>>, vector<1x1x16xf32>,
      %get3A_371 = vector.shape_cast %get3A_370 : vector<1x1x16xf32> to vector<16xf32>
      %mul3A_372 = arith.constant 11.3137083 : f32
      %mul3A_373 = vector.broadcast %mul3A_372 : f32 to vector<16xf32>
      %mul3A_374 = arith.mulf %get3A_371, %mul3A_373 : vector<16xf32>
      %add3A_375 = arith.constant 16 : i32
      %add3A_376 = arith.addi %mul3A_345, %add3A_375 : i32
      %get3A_377 = arith.index_cast %add3A_376 : i32 to index
      %get3A_378 = tpu.vector_load %arg9[%get3A_377] {strides = array<i32>} : memref<32768xf32, #tpu.memory_space<vmem>>, vector<16xf32>,
      %get3A_379 = vector.shape_cast %get3A_378 : vector<16xf32> to vector<16xf32>
      %add3A_380 = arith.addf %mul3A_374, %get3A_379 : vector<16xf32>
      %swap3A_381 = arith.constant 2 : i32
      %swap3A_382 = arith.index_cast %swap3A_381 : i32 to index
      %swap3A_383 = arith.index_cast %scan3A_341 : i32 to index
      %swap3A_384 = arith.constant 16 : index
      %swap3A_385 = tpu.vector_load %arg8[%swap3A_382, %swap3A_383, %swap3A_384] {strides = array<i32>} : memref<4x64x128xf32, #tpu.memory_space<vmem>>, vector<1x1x16xf32>,
      %swap3A_386 = vector.shape_cast %swap3A_385 : vector<1x1x16xf32> to vector<16xf32>
      %swap3A_387 = vector.shape_cast %add3A_380 : vector<16xf32> to vector<1x1x16xf32>
      tpu.vector_store %arg8[%swap3A_382, %swap3A_383, %swap3A_384], %swap3A_387 {strides = array<i32>} : memref<4x64x128xf32, #tpu.memory_space<vmem>>, vector<1x1x16xf32>,
      %get3A_388 = arith.constant 2 : i32
      %get3A_389 = arith.index_cast %get3A_388 : i32 to index
      %get3A_390 = arith.index_cast %scan3A_341 : i32 to index
      %get3A_391 = arith.constant 32 : index
      %get3A_392 = tpu.vector_load %arg7[%get3A_389, %get3A_390, %get3A_391] {strides = array<i32>} : memref<4x64x128xf32, #tpu.memory_space<vmem>>, vector<1x1x16xf32>,
      %get3A_393 = vector.shape_cast %get3A_392 : vector<1x1x16xf32> to vector<16xf32>
      %mul3A_394 = arith.constant 11.3137083 : f32
      %mul3A_395 = vector.broadcast %mul3A_394 : f32 to vector<16xf32>
      %mul3A_396 = arith.mulf %get3A_393, %mul3A_395 : vector<16xf32>
      %add3A_397 = arith.constant 32 : i32
      %add3A_398 = arith.addi %mul3A_345, %add3A_397 : i32
      %get3A_399 = arith.index_cast %add3A_398 : i32 to index
      %get3A_400 = tpu.vector_load %arg9[%get3A_399] {strides = array<i32>} : memref<32768xf32, #tpu.memory_space<vmem>>, vector<16xf32>,
      %get3A_401 = vector.shape_cast %get3A_400 : vector<16xf32> to vector<16xf32>
      %add3A_402 = arith.addf %mul3A_396, %get3A_401 : vector<16xf32>
      %swap3A_403 = arith.constant 2 : i32
      %swap3A_404 = arith.index_cast %swap3A_403 : i32 to index
      %swap3A_405 = arith.index_cast %scan3A_341 : i32 to index
      %swap3A_406 = arith.constant 32 : index
      %swap3A_407 = tpu.vector_load %arg8[%swap3A_404, %swap3A_405, %swap3A_406] {strides = array<i32>} : memref<4x64x128xf32, #tpu.memory_space<vmem>>, vector<1x1x16xf32>,
      %swap3A_408 = vector.shape_cast %swap3A_407 : vector<1x1x16xf32> to vector<16xf32>
      %swap3A_409 = vector.shape_cast %add3A_402 : vector<16xf32> to vector<1x1x16xf32>
      tpu.vector_store %arg8[%swap3A_404, %swap3A_405, %swap3A_406], %swap3A_409 {strides = array<i32>} : memref<4x64x128xf32, #tpu.memory_space<vmem>>, vector<1x1x16xf32>,
      %get3A_410 = arith.constant 2 : i32
      %get3A_411 = arith.index_cast %get3A_410 : i32 to index
      %get3A_412 = arith.index_cast %scan3A_341 : i32 to index
      %get3A_413 = arith.constant 48 : index
      %get3A_414 = tpu.vector_load %arg7[%get3A_411, %get3A_412, %get3A_413] {strides = array<i32>} : memref<4x64x128xf32, #tpu.memory_space<vmem>>, vector<1x1x16xf32>,
      %get3A_415 = vector.shape_cast %get3A_414 : vector<1x1x16xf32> to vector<16xf32>
      %mul3A_416 = arith.constant 11.3137083 : f32
      %mul3A_417 = vector.broadcast %mul3A_416 : f32 to vector<16xf32>
      %mul3A_418 = arith.mulf %get3A_415, %mul3A_417 : vector<16xf32>
      %add3A_419 = arith.constant 48 : i32
      %add3A_420 = arith.addi %mul3A_345, %add3A_419 : i32
      %get3A_421 = arith.index_cast %add3A_420 : i32 to index
      %get3A_422 = tpu.vector_load %arg9[%get3A_421] {strides = array<i32>} : memref<32768xf32, #tpu.memory_space<vmem>>, vector<16xf32>,
      %get3A_423 = vector.shape_cast %get3A_422 : vector<16xf32> to vector<16xf32>
      %add3A_424 = arith.addf %mul3A_418, %get3A_423 : vector<16xf32>
      %swap3A_425 = arith.constant 2 : i32
      %swap3A_426 = arith.index_cast %swap3A_425 : i32 to index
      %swap3A_427 = arith.index_cast %scan3A_341 : i32 to index
      %swap3A_428 = arith.constant 48 : index
      %swap3A_429 = tpu.vector_load %arg8[%swap3A_426, %swap3A_427, %swap3A_428] {strides = array<i32>} : memref<4x64x128xf32, #tpu.memory_space<vmem>>, vector<1x1x16xf32>,
      %swap3A_430 = vector.shape_cast %swap3A_429 : vector<1x1x16xf32> to vector<16xf32>
      %swap3A_431 = vector.shape_cast %add3A_424 : vector<16xf32> to vector<1x1x16xf32>
      tpu.vector_store %arg8[%swap3A_426, %swap3A_427, %swap3A_428], %swap3A_431 {strides = array<i32>} : memref<4x64x128xf32, #tpu.memory_space<vmem>>, vector<1x1x16xf32>,
      %get3A_432 = arith.constant 2 : i32
      %get3A_433 = arith.index_cast %get3A_432 : i32 to index
      %get3A_434 = arith.index_cast %scan3A_341 : i32 to index
      %get3A_435 = arith.constant 64 : index
      %get3A_436 = tpu.vector_load %arg7[%get3A_433, %get3A_434, %get3A_435] {strides = array<i32>} : memref<4x64x128xf32, #tpu.memory_space<vmem>>, vector<1x1x16xf32>,
      %get3A_437 = vector.shape_cast %get3A_436 : vector<1x1x16xf32> to vector<16xf32>
      %mul3A_438 = arith.constant 11.3137083 : f32
      %mul3A_439 = vector.broadcast %mul3A_438 : f32 to vector<16xf32>
      %mul3A_440 = arith.mulf %get3A_437, %mul3A_439 : vector<16xf32>
      %add3A_441 = arith.constant 64 : i32
      %add3A_442 = arith.addi %mul3A_345, %add3A_441 : i32
      %get3A_443 = arith.index_cast %add3A_442 : i32 to index
      %get3A_444 = tpu.vector_load %arg9[%get3A_443] {strides = array<i32>} : memref<32768xf32, #tpu.memory_space<vmem>>, vector<16xf32>,
      %get3A_445 = vector.shape_cast %get3A_444 : vector<16xf32> to vector<16xf32>
      %add3A_446 = arith.addf %mul3A_440, %get3A_445 : vector<16xf32>
      %swap3A_447 = arith.constant 2 : i32
      %swap3A_448 = arith.index_cast %swap3A_447 : i32 to index
      %swap3A_449 = arith.index_cast %scan3A_341 : i32 to index
      %swap3A_450 = arith.constant 64 : index
      %swap3A_451 = tpu.vector_load %arg8[%swap3A_448, %swap3A_449, %swap3A_450] {strides = array<i32>} : memref<4x64x128xf32, #tpu.memory_space<vmem>>, vector<1x1x16xf32>,
      %swap3A_452 = vector.shape_cast %swap3A_451 : vector<1x1x16xf32> to vector<16xf32>
      %swap3A_453 = vector.shape_cast %add3A_446 : vector<16xf32> to vector<1x1x16xf32>
      tpu.vector_store %arg8[%swap3A_448, %swap3A_449, %swap3A_450], %swap3A_453 {strides = array<i32>} : memref<4x64x128xf32, #tpu.memory_space<vmem>>, vector<1x1x16xf32>,
      %get3A_454 = arith.constant 2 : i32
      %get3A_455 = arith.index_cast %get3A_454 : i32 to index
      %get3A_456 = arith.index_cast %scan3A_341 : i32 to index
      %get3A_457 = arith.constant 80 : index
      %get3A_458 = tpu.vector_load %arg7[%get3A_455, %get3A_456, %get3A_457] {strides = array<i32>} : memref<4x64x128xf32, #tpu.memory_space<vmem>>, vector<1x1x16xf32>,
      %get3A_459 = vector.shape_cast %get3A_458 : vector<1x1x16xf32> to vector<16xf32>
      %mul3A_460 = arith.constant 11.3137083 : f32
      %mul3A_461 = vector.broadcast %mul3A_460 : f32 to vector<16xf32>
      %mul3A_462 = arith.mulf %get3A_459, %mul3A_461 : vector<16xf32>
      %add3A_463 = arith.constant 80 : i32
      %add3A_464 = arith.addi %mul3A_345, %add3A_463 : i32
      %get3A_465 = arith.index_cast %add3A_464 : i32 to index
      %get3A_466 = tpu.vector_load %arg9[%get3A_465] {strides = array<i32>} : memref<32768xf32, #tpu.memory_space<vmem>>, vector<16xf32>,
      %get3A_467 = vector.shape_cast %get3A_466 : vector<16xf32> to vector<16xf32>
      %add3A_468 = arith.addf %mul3A_462, %get3A_467 : vector<16xf32>
      %swap3A_469 = arith.constant 2 : i32
      %swap3A_470 = arith.index_cast %swap3A_469 : i32 to index
      %swap3A_471 = arith.index_cast %scan3A_341 : i32 to index
      %swap3A_472 = arith.constant 80 : index
      %swap3A_473 = tpu.vector_load %arg8[%swap3A_470, %swap3A_471, %swap3A_472] {strides = array<i32>} : memref<4x64x128xf32, #tpu.memory_space<vmem>>, vector<1x1x16xf32>,
      %swap3A_474 = vector.shape_cast %swap3A_473 : vector<1x1x16xf32> to vector<16xf32>
      %swap3A_475 = vector.shape_cast %add3A_468 : vector<16xf32> to vector<1x1x16xf32>
      tpu.vector_store %arg8[%swap3A_470, %swap3A_471, %swap3A_472], %swap3A_475 {strides = array<i32>} : memref<4x64x128xf32, #tpu.memory_space<vmem>>, vector<1x1x16xf32>,
      %get3A_476 = arith.constant 2 : i32
      %get3A_477 = arith.index_cast %get3A_476 : i32 to index
      %get3A_478 = arith.index_cast %scan3A_341 : i32 to index
      %get3A_479 = arith.constant 96 : index
      %get3A_480 = tpu.vector_load %arg7[%get3A_477, %get3A_478, %get3A_479] {strides = array<i32>} : memref<4x64x128xf32, #tpu.memory_space<vmem>>, vector<1x1x16xf32>,
      %get3A_481 = vector.shape_cast %get3A_480 : vector<1x1x16xf32> to vector<16xf32>
      %mul3A_482 = arith.constant 11.3137083 : f32
      %mul3A_483 = vector.broadcast %mul3A_482 : f32 to vector<16xf32>
      %mul3A_484 = arith.mulf %get3A_481, %mul3A_483 : vector<16xf32>
      %add3A_485 = arith.constant 96 : i32
      %add3A_486 = arith.addi %mul3A_345, %add3A_485 : i32
      %get3A_487 = arith.index_cast %add3A_486 : i32 to index
      %get3A_488 = tpu.vector_load %arg9[%get3A_487] {strides = array<i32>} : memref<32768xf32, #tpu.memory_space<vmem>>, vector<16xf32>,
      %get3A_489 = vector.shape_cast %get3A_488 : vector<16xf32> to vector<16xf32>
      %add3A_490 = arith.addf %mul3A_484, %get3A_489 : vector<16xf32>
      %swap3A_491 = arith.constant 2 : i32
      %swap3A_492 = arith.index_cast %swap3A_491 : i32 to index
      %swap3A_493 = arith.index_cast %scan3A_341 : i32 to index
      %swap3A_494 = arith.constant 96 : index
      %swap3A_495 = tpu.vector_load %arg8[%swap3A_492, %swap3A_493, %swap3A_494] {strides = array<i32>} : memref<4x64x128xf32, #tpu.memory_space<vmem>>, vector<1x1x16xf32>,
      %swap3A_496 = vector.shape_cast %swap3A_495 : vector<1x1x16xf32> to vector<16xf32>
      %swap3A_497 = vector.shape_cast %add3A_490 : vector<16xf32> to vector<1x1x16xf32>
      tpu.vector_store %arg8[%swap3A_492, %swap3A_493, %swap3A_494], %swap3A_497 {strides = array<i32>} : memref<4x64x128xf32, #tpu.memory_space<vmem>>, vector<1x1x16xf32>,
      %get3A_498 = arith.constant 2 : i32
      %get3A_499 = arith.index_cast %get3A_498 : i32 to index
      %get3A_500 = arith.index_cast %scan3A_341 : i32 to index
      %get3A_501 = arith.constant 112 : index
      %get3A_502 = tpu.vector_load %arg7[%get3A_499, %get3A_500, %get3A_501] {strides = array<i32>} : memref<4x64x128xf32, #tpu.memory_space<vmem>>, vector<1x1x16xf32>,
      %get3A_503 = vector.shape_cast %get3A_502 : vector<1x1x16xf32> to vector<16xf32>
      %mul3A_504 = arith.constant 11.3137083 : f32
      %mul3A_505 = vector.broadcast %mul3A_504 : f32 to vector<16xf32>
      %mul3A_506 = arith.mulf %get3A_503, %mul3A_505 : vector<16xf32>
      %add3A_507 = arith.constant 112 : i32
      %add3A_508 = arith.addi %mul3A_345, %add3A_507 : i32
      %get3A_509 = arith.index_cast %add3A_508 : i32 to index
      %get3A_510 = tpu.vector_load %arg9[%get3A_509] {strides = array<i32>} : memref<32768xf32, #tpu.memory_space<vmem>>, vector<16xf32>,
      %get3A_511 = vector.shape_cast %get3A_510 : vector<16xf32> to vector<16xf32>
      %add3A_512 = arith.addf %mul3A_506, %get3A_511 : vector<16xf32>
      %swap3A_513 = arith.constant 2 : i32
      %swap3A_514 = arith.index_cast %swap3A_513 : i32 to index
      %swap3A_515 = arith.index_cast %scan3A_341 : i32 to index
      %swap3A_516 = arith.constant 112 : index
      %swap3A_517 = tpu.vector_load %arg8[%swap3A_514, %swap3A_515, %swap3A_516] {strides = array<i32>} : memref<4x64x128xf32, #tpu.memory_space<vmem>>, vector<1x1x16xf32>,
      %swap3A_518 = vector.shape_cast %swap3A_517 : vector<1x1x16xf32> to vector<16xf32>
      %swap3A_519 = vector.shape_cast %add3A_512 : vector<16xf32> to vector<1x1x16xf32>
      tpu.vector_store %arg8[%swap3A_514, %swap3A_515, %swap3A_516], %swap3A_519 {strides = array<i32>} : memref<4x64x128xf32, #tpu.memory_space<vmem>>, vector<1x1x16xf32>,
    }
    %scan3A_220 = arith.constant 64 : i32
    %add3A_221 = arith.constant 128 : i32
    %add3A_222 = arith.addi %mul3A_20, %add3A_221 : i32
    %dma_start3A_223 = arith.constant 2 : i32
    %dma_start3A_224 = arith.constant 0 : i32
    %dma_start3A_225 = arith.constant 0 : i32
    %dma_start3A_226 = tpu.memref_slice %arg8[%dma_start3A_223, %dma_start3A_224, %dma_start3A_225] : memref<4x64x128xf32, #tpu.memory_space<vmem>> -> memref<1x64x128xf32, #tpu.memory_space<vmem>>
    %dma_start3A_227 = tpu.memref_squeeze %dma_start3A_226 : memref<1x64x128xf32, #tpu.memory_space<vmem>> -> memref<64x128xf32, #tpu.memory_space<vmem>>
    %dma_start3A_228 = arith.constant 0 : i32
    %dma_start3A_229 = tpu.memref_slice %arg5[%select_n3A, %add3A_222, %dma_start3A_228] : memref<4x2048x128xf32, #tpu.memory_space<hbm>> -> memref<1x64x128xf32, #tpu.memory_space<hbm>>
    %dma_start3A_230 = tpu.memref_squeeze %dma_start3A_229 : memref<1x64x128xf32, #tpu.memory_space<hbm>> -> memref<64x128xf32, #tpu.memory_space<hbm>>
    %dma_start3A_231 = arith.constant 0 : i32
    %dma_start3A_232 = tpu.memref_slice %arg5[%select_n3A, %add3A_222, %dma_start3A_231] : memref<4x2048x128xf32, #tpu.memory_space<hbm>> -> memref<1x64x128xf32, #tpu.memory_space<hbm>>
    %dma_start3A_233 = tpu.memref_squeeze %dma_start3A_232 : memref<1x64x128xf32, #tpu.memory_space<hbm>> -> memref<64x128xf32, #tpu.memory_space<hbm>>
    %dma_start3A_234 = arith.constant 0 : i32
    %dma_start3A_235 = arith.constant 0 : i32
    %dma_start3A_236 = tpu.memref_slice %arg8[%dma_start3A_223, %dma_start3A_234, %dma_start3A_235] : memref<4x64x128xf32, #tpu.memory_space<vmem>> -> memref<1x64x128xf32, #tpu.memory_space<vmem>>
    %dma_start3A_237 = tpu.memref_squeeze %dma_start3A_236 : memref<1x64x128xf32, #tpu.memory_space<vmem>> -> memref<64x128xf32, #tpu.memory_space<vmem>>
    tpu.enqueue_dma source(%dma_start3A_237 : memref<64x128xf32, #tpu.memory_space<vmem>>) target(%dma_start3A_233 : memref<64x128xf32, #tpu.memory_space<hbm>>) target_semaphore(%arg19 : memref<!tpu.dma_semaphore, #tpu.memory_space<semaphore_mem>>)
    %dma_wait3A_238 = arith.constant 3 : i32
    %dma_wait3A_239 = arith.constant 0 : i32
    %dma_wait3A_240 = arith.constant 0 : i32
    %dma_wait3A_241 = tpu.memref_slice %arg7[%dma_wait3A_238, %dma_wait3A_239, %dma_wait3A_240] : memref<4x64x128xf32, #tpu.memory_space<vmem>> -> memref<1x64x128xf32, #tpu.memory_space<vmem>>
    %dma_wait3A_242 = tpu.memref_squeeze %dma_wait3A_241 : memref<1x64x128xf32, #tpu.memory_space<vmem>> -> memref<64x128xf32, #tpu.memory_space<vmem>>
    %dma_wait3A_243 = arith.constant 192 : i32
    %dma_wait3A_244 = tpu.memref_slice %arg6[%dma_wait3A_243] : memref<256xi32, #tpu.memory_space<vmem>> -> memref<64xi32, #tpu.memory_space<vmem>>
    %dma_wait3A_245 = arith.constant 0 : i32
    %dma_wait3A_246 = arith.constant 0 : i32
    %dma_wait3A_247 = tpu.memref_slice %arg2[%dma_wait3A_245, %dma_wait3A_246] : memref<1000000x128xf32, #tpu.memory_space<hbm>> -> memref<1000000x128xf32, #tpu.memory_space<hbm>>
    tpu.wait_indirect_dma semaphore(%arg14 : memref<!tpu.dma_semaphore, #tpu.memory_space<semaphore_mem>>) src(%dma_wait3A_247 : memref<1000000x128xf32, #tpu.memory_space<hbm>>) dst(%dma_wait3A_242 : memref<64x128xf32, #tpu.memory_space<vmem>>)
    %dma_wait3A_248 = arith.constant 24576 : i32
    %dma_wait3A_249 = tpu.memref_slice %arg9[%dma_wait3A_248] : memref<32768xf32, #tpu.memory_space<vmem>> -> memref<8192xf32, #tpu.memory_space<vmem>>
    %dma_wait3A_250 = arith.constant 24576 : i32
    %dma_wait3A_251 = tpu.memref_slice %arg10[%rem3A_70, %dma_wait3A_250] : memref<4x32768xf32, #tpu.memory_space<vmem_shared>> -> memref<1x8192xf32, #tpu.memory_space<vmem_shared>>
    %dma_wait3A_252 = tpu.memref_squeeze %dma_wait3A_251 : memref<1x8192xf32, #tpu.memory_space<vmem_shared>> -> memref<8192xf32, #tpu.memory_space<vmem_shared>>
    %dma_wait3A_253 = arith.constant 24576 : i32
    %dma_wait3A_254 = tpu.memref_slice %arg9[%dma_wait3A_253] : memref<32768xf32, #tpu.memory_space<vmem>> -> memref<8192xf32, #tpu.memory_space<vmem>>
    %dma_wait3A_255 = arith.constant 24576 : i32
    %dma_wait3A_256 = tpu.memref_slice %arg10[%rem3A_70, %dma_wait3A_255] : memref<4x32768xf32, #tpu.memory_space<vmem_shared>> -> memref<1x8192xf32, #tpu.memory_space<vmem_shared>>
    %dma_wait3A_257 = tpu.memref_squeeze %dma_wait3A_256 : memref<1x8192xf32, #tpu.memory_space<vmem_shared>> -> memref<8192xf32, #tpu.memory_space<vmem_shared>>
    tpu.wait_dma2 semaphore(%arg18 : memref<!tpu.dma_semaphore, #tpu.memory_space<semaphore_mem>>) src(%dma_wait3A_257 : memref<8192xf32, #tpu.memory_space<vmem_shared>>) dst(%dma_wait3A_254 : memref<8192xf32, #tpu.memory_space<vmem>>)
    %scan3A_258 = arith.constant 0 : i32
    %scan3A_259 = arith.constant 0 : i32
    %scan3A_260 = arith.constant 64 : i32
    %scan3A_261 = arith.addi %scan3A_259, %scan3A_260 : i32
    %scan3A_262 = arith.constant 1 : i32
    scf.for %scan3A_341 = %scan3A_259 to %scan3A_261 step %scan3A_262  : i32 {
      %add3A_342 = arith.constant 192 : i32
      %add3A_343 = arith.addi %add3A_342, %scan3A_341 : i32
      %mul3A_344 = arith.constant 128 : i32
      %mul3A_345 = arith.muli %add3A_343, %mul3A_344 : i32
      %get3A = arith.constant 3 : i32
      %get3A_346 = arith.index_cast %get3A : i32 to index
      %get3A_347 = arith.index_cast %scan3A_341 : i32 to index
      %get3A_348 = arith.constant 0 : index
      %get3A_349 = tpu.vector_load %arg7[%get3A_346, %get3A_347, %get3A_348] {strides = array<i32>} : memref<4x64x128xf32, #tpu.memory_space<vmem>>, vector<1x1x16xf32>,
      %get3A_350 = vector.shape_cast %get3A_349 : vector<1x1x16xf32> to vector<16xf32>
      %mul3A_351 = arith.constant 11.3137083 : f32
      %mul3A_352 = vector.broadcast %mul3A_351 : f32 to vector<16xf32>
      %mul3A_353 = arith.mulf %get3A_350, %mul3A_352 : vector<16xf32>
      %add3A_354 = arith.constant 0 : i32
      %add3A_355 = arith.addi %mul3A_345, %add3A_354 : i32
      %get3A_356 = arith.index_cast %add3A_355 : i32 to index
      %get3A_357 = tpu.vector_load %arg9[%get3A_356] {strides = array<i32>} : memref<32768xf32, #tpu.memory_space<vmem>>, vector<16xf32>,
      %get3A_358 = vector.shape_cast %get3A_357 : vector<16xf32> to vector<16xf32>
      %add3A_359 = arith.addf %mul3A_353, %get3A_358 : vector<16xf32>
      %swap3A = arith.constant 3 : i32
      %swap3A_360 = arith.index_cast %swap3A : i32 to index
      %swap3A_361 = arith.index_cast %scan3A_341 : i32 to index
      %swap3A_362 = arith.constant 0 : index
      %swap3A_363 = tpu.vector_load %arg8[%swap3A_360, %swap3A_361, %swap3A_362] {strides = array<i32>} : memref<4x64x128xf32, #tpu.memory_space<vmem>>, vector<1x1x16xf32>,
      %swap3A_364 = vector.shape_cast %swap3A_363 : vector<1x1x16xf32> to vector<16xf32>
      %swap3A_365 = vector.shape_cast %add3A_359 : vector<16xf32> to vector<1x1x16xf32>
      tpu.vector_store %arg8[%swap3A_360, %swap3A_361, %swap3A_362], %swap3A_365 {strides = array<i32>} : memref<4x64x128xf32, #tpu.memory_space<vmem>>, vector<1x1x16xf32>,
      %get3A_366 = arith.constant 3 : i32
      %get3A_367 = arith.index_cast %get3A_366 : i32 to index
      %get3A_368 = arith.index_cast %scan3A_341 : i32 to index
      %get3A_369 = arith.constant 16 : index
      %get3A_370 = tpu.vector_load %arg7[%get3A_367, %get3A_368, %get3A_369] {strides = array<i32>} : memref<4x64x128xf32, #tpu.memory_space<vmem>>, vector<1x1x16xf32>,
      %get3A_371 = vector.shape_cast %get3A_370 : vector<1x1x16xf32> to vector<16xf32>
      %mul3A_372 = arith.constant 11.3137083 : f32
      %mul3A_373 = vector.broadcast %mul3A_372 : f32 to vector<16xf32>
      %mul3A_374 = arith.mulf %get3A_371, %mul3A_373 : vector<16xf32>
      %add3A_375 = arith.constant 16 : i32
      %add3A_376 = arith.addi %mul3A_345, %add3A_375 : i32
      %get3A_377 = arith.index_cast %add3A_376 : i32 to index
      %get3A_378 = tpu.vector_load %arg9[%get3A_377] {strides = array<i32>} : memref<32768xf32, #tpu.memory_space<vmem>>, vector<16xf32>,
      %get3A_379 = vector.shape_cast %get3A_378 : vector<16xf32> to vector<16xf32>
      %add3A_380 = arith.addf %mul3A_374, %get3A_379 : vector<16xf32>
      %swap3A_381 = arith.constant 3 : i32
      %swap3A_382 = arith.index_cast %swap3A_381 : i32 to index
      %swap3A_383 = arith.index_cast %scan3A_341 : i32 to index
      %swap3A_384 = arith.constant 16 : index
      %swap3A_385 = tpu.vector_load %arg8[%swap3A_382, %swap3A_383, %swap3A_384] {strides = array<i32>} : memref<4x64x128xf32, #tpu.memory_space<vmem>>, vector<1x1x16xf32>,
      %swap3A_386 = vector.shape_cast %swap3A_385 : vector<1x1x16xf32> to vector<16xf32>
      %swap3A_387 = vector.shape_cast %add3A_380 : vector<16xf32> to vector<1x1x16xf32>
      tpu.vector_store %arg8[%swap3A_382, %swap3A_383, %swap3A_384], %swap3A_387 {strides = array<i32>} : memref<4x64x128xf32, #tpu.memory_space<vmem>>, vector<1x1x16xf32>,
      %get3A_388 = arith.constant 3 : i32
      %get3A_389 = arith.index_cast %get3A_388 : i32 to index
      %get3A_390 = arith.index_cast %scan3A_341 : i32 to index
      %get3A_391 = arith.constant 32 : index
      %get3A_392 = tpu.vector_load %arg7[%get3A_389, %get3A_390, %get3A_391] {strides = array<i32>} : memref<4x64x128xf32, #tpu.memory_space<vmem>>, vector<1x1x16xf32>,
      %get3A_393 = vector.shape_cast %get3A_392 : vector<1x1x16xf32> to vector<16xf32>
      %mul3A_394 = arith.constant 11.3137083 : f32
      %mul3A_395 = vector.broadcast %mul3A_394 : f32 to vector<16xf32>
      %mul3A_396 = arith.mulf %get3A_393, %mul3A_395 : vector<16xf32>
      %add3A_397 = arith.constant 32 : i32
      %add3A_398 = arith.addi %mul3A_345, %add3A_397 : i32
      %get3A_399 = arith.index_cast %add3A_398 : i32 to index
      %get3A_400 = tpu.vector_load %arg9[%get3A_399] {strides = array<i32>} : memref<32768xf32, #tpu.memory_space<vmem>>, vector<16xf32>,
      %get3A_401 = vector.shape_cast %get3A_400 : vector<16xf32> to vector<16xf32>
      %add3A_402 = arith.addf %mul3A_396, %get3A_401 : vector<16xf32>
      %swap3A_403 = arith.constant 3 : i32
      %swap3A_404 = arith.index_cast %swap3A_403 : i32 to index
      %swap3A_405 = arith.index_cast %scan3A_341 : i32 to index
      %swap3A_406 = arith.constant 32 : index
      %swap3A_407 = tpu.vector_load %arg8[%swap3A_404, %swap3A_405, %swap3A_406] {strides = array<i32>} : memref<4x64x128xf32, #tpu.memory_space<vmem>>, vector<1x1x16xf32>,
      %swap3A_408 = vector.shape_cast %swap3A_407 : vector<1x1x16xf32> to vector<16xf32>
      %swap3A_409 = vector.shape_cast %add3A_402 : vector<16xf32> to vector<1x1x16xf32>
      tpu.vector_store %arg8[%swap3A_404, %swap3A_405, %swap3A_406], %swap3A_409 {strides = array<i32>} : memref<4x64x128xf32, #tpu.memory_space<vmem>>, vector<1x1x16xf32>,
      %get3A_410 = arith.constant 3 : i32
      %get3A_411 = arith.index_cast %get3A_410 : i32 to index
      %get3A_412 = arith.index_cast %scan3A_341 : i32 to index
      %get3A_413 = arith.constant 48 : index
      %get3A_414 = tpu.vector_load %arg7[%get3A_411, %get3A_412, %get3A_413] {strides = array<i32>} : memref<4x64x128xf32, #tpu.memory_space<vmem>>, vector<1x1x16xf32>,
      %get3A_415 = vector.shape_cast %get3A_414 : vector<1x1x16xf32> to vector<16xf32>
      %mul3A_416 = arith.constant 11.3137083 : f32
      %mul3A_417 = vector.broadcast %mul3A_416 : f32 to vector<16xf32>
      %mul3A_418 = arith.mulf %get3A_415, %mul3A_417 : vector<16xf32>
      %add3A_419 = arith.constant 48 : i32
      %add3A_420 = arith.addi %mul3A_345, %add3A_419 : i32
      %get3A_421 = arith.index_cast %add3A_420 : i32 to index
      %get3A_422 = tpu.vector_load %arg9[%get3A_421] {strides = array<i32>} : memref<32768xf32, #tpu.memory_space<vmem>>, vector<16xf32>,
      %get3A_423 = vector.shape_cast %get3A_422 : vector<16xf32> to vector<16xf32>
      %add3A_424 = arith.addf %mul3A_418, %get3A_423 : vector<16xf32>
      %swap3A_425 = arith.constant 3 : i32
      %swap3A_426 = arith.index_cast %swap3A_425 : i32 to index
      %swap3A_427 = arith.index_cast %scan3A_341 : i32 to index
      %swap3A_428 = arith.constant 48 : index
      %swap3A_429 = tpu.vector_load %arg8[%swap3A_426, %swap3A_427, %swap3A_428] {strides = array<i32>} : memref<4x64x128xf32, #tpu.memory_space<vmem>>, vector<1x1x16xf32>,
      %swap3A_430 = vector.shape_cast %swap3A_429 : vector<1x1x16xf32> to vector<16xf32>
      %swap3A_431 = vector.shape_cast %add3A_424 : vector<16xf32> to vector<1x1x16xf32>
      tpu.vector_store %arg8[%swap3A_426, %swap3A_427, %swap3A_428], %swap3A_431 {strides = array<i32>} : memref<4x64x128xf32, #tpu.memory_space<vmem>>, vector<1x1x16xf32>,
      %get3A_432 = arith.constant 3 : i32
      %get3A_433 = arith.index_cast %get3A_432 : i32 to index
      %get3A_434 = arith.index_cast %scan3A_341 : i32 to index
      %get3A_435 = arith.constant 64 : index
      %get3A_436 = tpu.vector_load %arg7[%get3A_433, %get3A_434, %get3A_435] {strides = array<i32>} : memref<4x64x128xf32, #tpu.memory_space<vmem>>, vector<1x1x16xf32>,
      %get3A_437 = vector.shape_cast %get3A_436 : vector<1x1x16xf32> to vector<16xf32>
      %mul3A_438 = arith.constant 11.3137083 : f32
      %mul3A_439 = vector.broadcast %mul3A_438 : f32 to vector<16xf32>
      %mul3A_440 = arith.mulf %get3A_437, %mul3A_439 : vector<16xf32>
      %add3A_441 = arith.constant 64 : i32
      %add3A_442 = arith.addi %mul3A_345, %add3A_441 : i32
      %get3A_443 = arith.index_cast %add3A_442 : i32 to index
      %get3A_444 = tpu.vector_load %arg9[%get3A_443] {strides = array<i32>} : memref<32768xf32, #tpu.memory_space<vmem>>, vector<16xf32>,
      %get3A_445 = vector.shape_cast %get3A_444 : vector<16xf32> to vector<16xf32>
      %add3A_446 = arith.addf %mul3A_440, %get3A_445 : vector<16xf32>
      %swap3A_447 = arith.constant 3 : i32
      %swap3A_448 = arith.index_cast %swap3A_447 : i32 to index
      %swap3A_449 = arith.index_cast %scan3A_341 : i32 to index
      %swap3A_450 = arith.constant 64 : index
      %swap3A_451 = tpu.vector_load %arg8[%swap3A_448, %swap3A_449, %swap3A_450] {strides = array<i32>} : memref<4x64x128xf32, #tpu.memory_space<vmem>>, vector<1x1x16xf32>,
      %swap3A_452 = vector.shape_cast %swap3A_451 : vector<1x1x16xf32> to vector<16xf32>
      %swap3A_453 = vector.shape_cast %add3A_446 : vector<16xf32> to vector<1x1x16xf32>
      tpu.vector_store %arg8[%swap3A_448, %swap3A_449, %swap3A_450], %swap3A_453 {strides = array<i32>} : memref<4x64x128xf32, #tpu.memory_space<vmem>>, vector<1x1x16xf32>,
      %get3A_454 = arith.constant 3 : i32
      %get3A_455 = arith.index_cast %get3A_454 : i32 to index
      %get3A_456 = arith.index_cast %scan3A_341 : i32 to index
      %get3A_457 = arith.constant 80 : index
      %get3A_458 = tpu.vector_load %arg7[%get3A_455, %get3A_456, %get3A_457] {strides = array<i32>} : memref<4x64x128xf32, #tpu.memory_space<vmem>>, vector<1x1x16xf32>,
      %get3A_459 = vector.shape_cast %get3A_458 : vector<1x1x16xf32> to vector<16xf32>
      %mul3A_460 = arith.constant 11.3137083 : f32
      %mul3A_461 = vector.broadcast %mul3A_460 : f32 to vector<16xf32>
      %mul3A_462 = arith.mulf %get3A_459, %mul3A_461 : vector<16xf32>
      %add3A_463 = arith.constant 80 : i32
      %add3A_464 = arith.addi %mul3A_345, %add3A_463 : i32
      %get3A_465 = arith.index_cast %add3A_464 : i32 to index
      %get3A_466 = tpu.vector_load %arg9[%get3A_465] {strides = array<i32>} : memref<32768xf32, #tpu.memory_space<vmem>>, vector<16xf32>,
      %get3A_467 = vector.shape_cast %get3A_466 : vector<16xf32> to vector<16xf32>
      %add3A_468 = arith.addf %mul3A_462, %get3A_467 : vector<16xf32>
      %swap3A_469 = arith.constant 3 : i32
      %swap3A_470 = arith.index_cast %swap3A_469 : i32 to index
      %swap3A_471 = arith.index_cast %scan3A_341 : i32 to index
      %swap3A_472 = arith.constant 80 : index
      %swap3A_473 = tpu.vector_load %arg8[%swap3A_470, %swap3A_471, %swap3A_472] {strides = array<i32>} : memref<4x64x128xf32, #tpu.memory_space<vmem>>, vector<1x1x16xf32>,
      %swap3A_474 = vector.shape_cast %swap3A_473 : vector<1x1x16xf32> to vector<16xf32>
      %swap3A_475 = vector.shape_cast %add3A_468 : vector<16xf32> to vector<1x1x16xf32>
      tpu.vector_store %arg8[%swap3A_470, %swap3A_471, %swap3A_472], %swap3A_475 {strides = array<i32>} : memref<4x64x128xf32, #tpu.memory_space<vmem>>, vector<1x1x16xf32>,
      %get3A_476 = arith.constant 3 : i32
      %get3A_477 = arith.index_cast %get3A_476 : i32 to index
      %get3A_478 = arith.index_cast %scan3A_341 : i32 to index
      %get3A_479 = arith.constant 96 : index
      %get3A_480 = tpu.vector_load %arg7[%get3A_477, %get3A_478, %get3A_479] {strides = array<i32>} : memref<4x64x128xf32, #tpu.memory_space<vmem>>, vector<1x1x16xf32>,
      %get3A_481 = vector.shape_cast %get3A_480 : vector<1x1x16xf32> to vector<16xf32>
      %mul3A_482 = arith.constant 11.3137083 : f32
      %mul3A_483 = vector.broadcast %mul3A_482 : f32 to vector<16xf32>
      %mul3A_484 = arith.mulf %get3A_481, %mul3A_483 : vector<16xf32>
      %add3A_485 = arith.constant 96 : i32
      %add3A_486 = arith.addi %mul3A_345, %add3A_485 : i32
      %get3A_487 = arith.index_cast %add3A_486 : i32 to index
      %get3A_488 = tpu.vector_load %arg9[%get3A_487] {strides = array<i32>} : memref<32768xf32, #tpu.memory_space<vmem>>, vector<16xf32>,
      %get3A_489 = vector.shape_cast %get3A_488 : vector<16xf32> to vector<16xf32>
      %add3A_490 = arith.addf %mul3A_484, %get3A_489 : vector<16xf32>
      %swap3A_491 = arith.constant 3 : i32
      %swap3A_492 = arith.index_cast %swap3A_491 : i32 to index
      %swap3A_493 = arith.index_cast %scan3A_341 : i32 to index
      %swap3A_494 = arith.constant 96 : index
      %swap3A_495 = tpu.vector_load %arg8[%swap3A_492, %swap3A_493, %swap3A_494] {strides = array<i32>} : memref<4x64x128xf32, #tpu.memory_space<vmem>>, vector<1x1x16xf32>,
      %swap3A_496 = vector.shape_cast %swap3A_495 : vector<1x1x16xf32> to vector<16xf32>
      %swap3A_497 = vector.shape_cast %add3A_490 : vector<16xf32> to vector<1x1x16xf32>
      tpu.vector_store %arg8[%swap3A_492, %swap3A_493, %swap3A_494], %swap3A_497 {strides = array<i32>} : memref<4x64x128xf32, #tpu.memory_space<vmem>>, vector<1x1x16xf32>,
      %get3A_498 = arith.constant 3 : i32
      %get3A_499 = arith.index_cast %get3A_498 : i32 to index
      %get3A_500 = arith.index_cast %scan3A_341 : i32 to index
      %get3A_501 = arith.constant 112 : index
      %get3A_502 = tpu.vector_load %arg7[%get3A_499, %get3A_500, %get3A_501] {strides = array<i32>} : memref<4x64x128xf32, #tpu.memory_space<vmem>>, vector<1x1x16xf32>,
      %get3A_503 = vector.shape_cast %get3A_502 : vector<1x1x16xf32> to vector<16xf32>
      %mul3A_504 = arith.constant 11.3137083 : f32
      %mul3A_505 = vector.broadcast %mul3A_504 : f32 to vector<16xf32>
      %mul3A_506 = arith.mulf %get3A_503, %mul3A_505 : vector<16xf32>
      %add3A_507 = arith.constant 112 : i32
      %add3A_508 = arith.addi %mul3A_345, %add3A_507 : i32
      %get3A_509 = arith.index_cast %add3A_508 : i32 to index
      %get3A_510 = tpu.vector_load %arg9[%get3A_509] {strides = array<i32>} : memref<32768xf32, #tpu.memory_space<vmem>>, vector<16xf32>,
      %get3A_511 = vector.shape_cast %get3A_510 : vector<16xf32> to vector<16xf32>
      %add3A_512 = arith.addf %mul3A_506, %get3A_511 : vector<16xf32>
      %swap3A_513 = arith.constant 3 : i32
      %swap3A_514 = arith.index_cast %swap3A_513 : i32 to index
      %swap3A_515 = arith.index_cast %scan3A_341 : i32 to index
      %swap3A_516 = arith.constant 112 : index
      %swap3A_517 = tpu.vector_load %arg8[%swap3A_514, %swap3A_515, %swap3A_516] {strides = array<i32>} : memref<4x64x128xf32, #tpu.memory_space<vmem>>, vector<1x1x16xf32>,
      %swap3A_518 = vector.shape_cast %swap3A_517 : vector<1x1x16xf32> to vector<16xf32>
      %swap3A_519 = vector.shape_cast %add3A_512 : vector<16xf32> to vector<1x1x16xf32>
      tpu.vector_store %arg8[%swap3A_514, %swap3A_515, %swap3A_516], %swap3A_519 {strides = array<i32>} : memref<4x64x128xf32, #tpu.memory_space<vmem>>, vector<1x1x16xf32>,
    }
    %scan3A_263 = arith.constant 64 : i32
    %add3A_264 = arith.constant 192 : i32
    %add3A_265 = arith.addi %mul3A_20, %add3A_264 : i32
    %dma_start3A_266 = arith.constant 3 : i32
    %dma_start3A_267 = arith.constant 0 : i32
    %dma_start3A_268 = arith.constant 0 : i32
    %dma_start3A_269 = tpu.memref_slice %arg8[%dma_start3A_266, %dma_start3A_267, %dma_start3A_268] : memref<4x64x128xf32, #tpu.memory_space<vmem>> -> memref<1x64x128xf32, #tpu.memory_space<vmem>>
    %dma_start3A_270 = tpu.memref_squeeze %dma_start3A_269 : memref<1x64x128xf32, #tpu.memory_space<vmem>> -> memref<64x128xf32, #tpu.memory_space<vmem>>
    %dma_start3A_271 = arith.constant 0 : i32
    %dma_start3A_272 = tpu.memref_slice %arg5[%select_n3A, %add3A_265, %dma_start3A_271] : memref<4x2048x128xf32, #tpu.memory_space<hbm>> -> memref<1x64x128xf32, #tpu.memory_space<hbm>>
    %dma_start3A_273 = tpu.memref_squeeze %dma_start3A_272 : memref<1x64x128xf32, #tpu.memory_space<hbm>> -> memref<64x128xf32, #tpu.memory_space<hbm>>
    %dma_start3A_274 = arith.constant 0 : i32
    %dma_start3A_275 = tpu.memref_slice %arg5[%select_n3A, %add3A_265, %dma_start3A_274] : memref<4x2048x128xf32, #tpu.memory_space<hbm>> -> memref<1x64x128xf32, #tpu.memory_space<hbm>>
    %dma_start3A_276 = tpu.memref_squeeze %dma_start3A_275 : memref<1x64x128xf32, #tpu.memory_space<hbm>> -> memref<64x128xf32, #tpu.memory_space<hbm>>
    %dma_start3A_277 = arith.constant 0 : i32
    %dma_start3A_278 = arith.constant 0 : i32
    %dma_start3A_279 = tpu.memref_slice %arg8[%dma_start3A_266, %dma_start3A_277, %dma_start3A_278] : memref<4x64x128xf32, #tpu.memory_space<vmem>> -> memref<1x64x128xf32, #tpu.memory_space<vmem>>
    %dma_start3A_280 = tpu.memref_squeeze %dma_start3A_279 : memref<1x64x128xf32, #tpu.memory_space<vmem>> -> memref<64x128xf32, #tpu.memory_space<vmem>>
    tpu.enqueue_dma source(%dma_start3A_280 : memref<64x128xf32, #tpu.memory_space<vmem>>) target(%dma_start3A_276 : memref<64x128xf32, #tpu.memory_space<hbm>>) target_semaphore(%arg19 : memref<!tpu.dma_semaphore, #tpu.memory_space<semaphore_mem>>)
    %dma_wait3A_281 = arith.constant 0 : i32
    %dma_wait3A_282 = arith.constant 0 : i32
    %dma_wait3A_283 = arith.constant 0 : i32
    %dma_wait3A_284 = tpu.memref_slice %arg8[%dma_wait3A_281, %dma_wait3A_282, %dma_wait3A_283] : memref<4x64x128xf32, #tpu.memory_space<vmem>> -> memref<1x64x128xf32, #tpu.memory_space<vmem>>
    %dma_wait3A_285 = tpu.memref_squeeze %dma_wait3A_284 : memref<1x64x128xf32, #tpu.memory_space<vmem>> -> memref<64x128xf32, #tpu.memory_space<vmem>>
    %dma_wait3A_286 = arith.constant 0 : i32
    %dma_wait3A_287 = tpu.memref_slice %arg5[%select_n3A, %add3A_136, %dma_wait3A_286] : memref<4x2048x128xf32, #tpu.memory_space<hbm>> -> memref<1x64x128xf32, #tpu.memory_space<hbm>>
    %dma_wait3A_288 = tpu.memref_squeeze %dma_wait3A_287 : memref<1x64x128xf32, #tpu.memory_space<hbm>> -> memref<64x128xf32, #tpu.memory_space<hbm>>
    %dma_wait3A_289 = arith.constant 0 : i32
    %dma_wait3A_290 = tpu.memref_slice %arg5[%select_n3A, %add3A_136, %dma_wait3A_289] : memref<4x2048x128xf32, #tpu.memory_space<hbm>> -> memref<1x64x128xf32, #tpu.memory_space<hbm>>
    %dma_wait3A_291 = tpu.memref_squeeze %dma_wait3A_290 : memref<1x64x128xf32, #tpu.memory_space<hbm>> -> memref<64x128xf32, #tpu.memory_space<hbm>>
    %dma_wait3A_292 = arith.constant 0 : i32
    %dma_wait3A_293 = arith.constant 0 : i32
    %dma_wait3A_294 = tpu.memref_slice %arg8[%dma_wait3A_281, %dma_wait3A_292, %dma_wait3A_293] : memref<4x64x128xf32, #tpu.memory_space<vmem>> -> memref<1x64x128xf32, #tpu.memory_space<vmem>>
    %dma_wait3A_295 = tpu.memref_squeeze %dma_wait3A_294 : memref<1x64x128xf32, #tpu.memory_space<vmem>> -> memref<64x128xf32, #tpu.memory_space<vmem>>
    tpu.wait_dma2 semaphore(%arg19 : memref<!tpu.dma_semaphore, #tpu.memory_space<semaphore_mem>>) src(%dma_wait3A_295 : memref<64x128xf32, #tpu.memory_space<vmem>>) dst(%dma_wait3A_291 : memref<64x128xf32, #tpu.memory_space<hbm>>)
    %dma_wait3A_296 = arith.constant 1 : i32
    %dma_wait3A_297 = arith.constant 0 : i32
    %dma_wait3A_298 = arith.constant 0 : i32
    %dma_wait3A_299 = tpu.memref_slice %arg8[%dma_wait3A_296, %dma_wait3A_297, %dma_wait3A_298] : memref<4x64x128xf32, #tpu.memory_space<vmem>> -> memref<1x64x128xf32, #tpu.memory_space<vmem>>
    %dma_wait3A_300 = tpu.memref_squeeze %dma_wait3A_299 : memref<1x64x128xf32, #tpu.memory_space<vmem>> -> memref<64x128xf32, #tpu.memory_space<vmem>>
    %dma_wait3A_301 = arith.constant 0 : i32
    %dma_wait3A_302 = tpu.memref_slice %arg5[%select_n3A, %add3A_179, %dma_wait3A_301] : memref<4x2048x128xf32, #tpu.memory_space<hbm>> -> memref<1x64x128xf32, #tpu.memory_space<hbm>>
    %dma_wait3A_303 = tpu.memref_squeeze %dma_wait3A_302 : memref<1x64x128xf32, #tpu.memory_space<hbm>> -> memref<64x128xf32, #tpu.memory_space<hbm>>
    %dma_wait3A_304 = arith.constant 0 : i32
    %dma_wait3A_305 = tpu.memref_slice %arg5[%select_n3A, %add3A_179, %dma_wait3A_304] : memref<4x2048x128xf32, #tpu.memory_space<hbm>> -> memref<1x64x128xf32, #tpu.memory_space<hbm>>
    %dma_wait3A_306 = tpu.memref_squeeze %dma_wait3A_305 : memref<1x64x128xf32, #tpu.memory_space<hbm>> -> memref<64x128xf32, #tpu.memory_space<hbm>>
    %dma_wait3A_307 = arith.constant 0 : i32
    %dma_wait3A_308 = arith.constant 0 : i32
    %dma_wait3A_309 = tpu.memref_slice %arg8[%dma_wait3A_296, %dma_wait3A_307, %dma_wait3A_308] : memref<4x64x128xf32, #tpu.memory_space<vmem>> -> memref<1x64x128xf32, #tpu.memory_space<vmem>>
    %dma_wait3A_310 = tpu.memref_squeeze %dma_wait3A_309 : memref<1x64x128xf32, #tpu.memory_space<vmem>> -> memref<64x128xf32, #tpu.memory_space<vmem>>
    tpu.wait_dma2 semaphore(%arg19 : memref<!tpu.dma_semaphore, #tpu.memory_space<semaphore_mem>>) src(%dma_wait3A_310 : memref<64x128xf32, #tpu.memory_space<vmem>>) dst(%dma_wait3A_306 : memref<64x128xf32, #tpu.memory_space<hbm>>)
    %dma_wait3A_311 = arith.constant 2 : i32
    %dma_wait3A_312 = arith.constant 0 : i32
    %dma_wait3A_313 = arith.constant 0 : i32
    %dma_wait3A_314 = tpu.memref_slice %arg8[%dma_wait3A_311, %dma_wait3A_312, %dma_wait3A_313] : memref<4x64x128xf32, #tpu.memory_space<vmem>> -> memref<1x64x128xf32, #tpu.memory_space<vmem>>
    %dma_wait3A_315 = tpu.memref_squeeze %dma_wait3A_314 : memref<1x64x128xf32, #tpu.memory_space<vmem>> -> memref<64x128xf32, #tpu.memory_space<vmem>>
    %dma_wait3A_316 = arith.constant 0 : i32
    %dma_wait3A_317 = tpu.memref_slice %arg5[%select_n3A, %add3A_222, %dma_wait3A_316] : memref<4x2048x128xf32, #tpu.memory_space<hbm>> -> memref<1x64x128xf32, #tpu.memory_space<hbm>>
    %dma_wait3A_318 = tpu.memref_squeeze %dma_wait3A_317 : memref<1x64x128xf32, #tpu.memory_space<hbm>> -> memref<64x128xf32, #tpu.memory_space<hbm>>
    %dma_wait3A_319 = arith.constant 0 : i32
    %dma_wait3A_320 = tpu.memref_slice %arg5[%select_n3A, %add3A_222, %dma_wait3A_319] : memref<4x2048x128xf32, #tpu.memory_space<hbm>> -> memref<1x64x128xf32, #tpu.memory_space<hbm>>
    %dma_wait3A_321 = tpu.memref_squeeze %dma_wait3A_320 : memref<1x64x128xf32, #tpu.memory_space<hbm>> -> memref<64x128xf32, #tpu.memory_space<hbm>>
    %dma_wait3A_322 = arith.constant 0 : i32
    %dma_wait3A_323 = arith.constant 0 : i32
    %dma_wait3A_324 = tpu.memref_slice %arg8[%dma_wait3A_311, %dma_wait3A_322, %dma_wait3A_323] : memref<4x64x128xf32, #tpu.memory_space<vmem>> -> memref<1x64x128xf32, #tpu.memory_space<vmem>>
    %dma_wait3A_325 = tpu.memref_squeeze %dma_wait3A_324 : memref<1x64x128xf32, #tpu.memory_space<vmem>> -> memref<64x128xf32, #tpu.memory_space<vmem>>
    tpu.wait_dma2 semaphore(%arg19 : memref<!tpu.dma_semaphore, #tpu.memory_space<semaphore_mem>>) src(%dma_wait3A_325 : memref<64x128xf32, #tpu.memory_space<vmem>>) dst(%dma_wait3A_321 : memref<64x128xf32, #tpu.memory_space<hbm>>)
    %dma_wait3A_326 = arith.constant 3 : i32
    %dma_wait3A_327 = arith.constant 0 : i32
    %dma_wait3A_328 = arith.constant 0 : i32
    %dma_wait3A_329 = tpu.memref_slice %arg8[%dma_wait3A_326, %dma_wait3A_327, %dma_wait3A_328] : memref<4x64x128xf32, #tpu.memory_space<vmem>> -> memref<1x64x128xf32, #tpu.memory_space<vmem>>
    %dma_wait3A_330 = tpu.memref_squeeze %dma_wait3A_329 : memref<1x64x128xf32, #tpu.memory_space<vmem>> -> memref<64x128xf32, #tpu.memory_space<vmem>>
    %dma_wait3A_331 = arith.constant 0 : i32
    %dma_wait3A_332 = tpu.memref_slice %arg5[%select_n3A, %add3A_265, %dma_wait3A_331] : memref<4x2048x128xf32, #tpu.memory_space<hbm>> -> memref<1x64x128xf32, #tpu.memory_space<hbm>>
    %dma_wait3A_333 = tpu.memref_squeeze %dma_wait3A_332 : memref<1x64x128xf32, #tpu.memory_space<hbm>> -> memref<64x128xf32, #tpu.memory_space<hbm>>
    %dma_wait3A_334 = arith.constant 0 : i32
    %dma_wait3A_335 = tpu.memref_slice %arg5[%select_n3A, %add3A_265, %dma_wait3A_334] : memref<4x2048x128xf32, #tpu.memory_space<hbm>> -> memref<1x64x128xf32, #tpu.memory_space<hbm>>
    %dma_wait3A_336 = tpu.memref_squeeze %dma_wait3A_335 : memref<1x64x128xf32, #tpu.memory_space<hbm>> -> memref<64x128xf32, #tpu.memory_space<hbm>>
    %dma_wait3A_337 = arith.constant 0 : i32
    %dma_wait3A_338 = arith.constant 0 : i32
    %dma_wait3A_339 = tpu.memref_slice %arg8[%dma_wait3A_326, %dma_wait3A_337, %dma_wait3A_338] : memref<4x64x128xf32, #tpu.memory_space<vmem>> -> memref<1x64x128xf32, #tpu.memory_space<vmem>>
    %dma_wait3A_340 = tpu.memref_squeeze %dma_wait3A_339 : memref<1x64x128xf32, #tpu.memory_space<vmem>> -> memref<64x128xf32, #tpu.memory_space<vmem>>
    tpu.wait_dma2 semaphore(%arg19 : memref<!tpu.dma_semaphore, #tpu.memory_space<semaphore_mem>>) src(%dma_wait3A_340 : memref<64x128xf32, #tpu.memory_space<vmem>>) dst(%dma_wait3A_336 : memref<64x128xf32, #tpu.memory_space<hbm>>)
    return
  }
}

module attributes {stable_mosaic.version = 14 : i64} {
  func.func @_pe_tc_body(%arg0: memref<262144xf32, #tpu.memory_space<vmem>>) attributes {dimension_semantics = [], scalar_prefetch = 0 : i64, scratch_operands = 0 : i64, tpu.core_type = #tpu.core_type<tc>} {
    %iota3A = tpu.iota {dimensions = array<i32: 1>} : vector<1x128xi32>
    %jit3A = arith.constant 2 : i32
    %div3A = vector.broadcast %jit3A : i32 to vector<1x128xi32>
    %div3A_0 = arith.divsi %iota3A, %div3A : vector<1x128xi32>
    %sign3A = arith.constant 0 : i32
    %sign3A_1 = vector.broadcast %sign3A : i32 to vector<1x128xi32>
    %sign3A_2 = arith.cmpi sgt, %iota3A, %sign3A_1 : vector<1x128xi32>
    %sign3A_3 = arith.extui %sign3A_2 : vector<1x128xi1> to vector<1x128xi32>
    %sign3A_4 = arith.constant 0 : i32
    %sign3A_5 = vector.broadcast %sign3A_4 : i32 to vector<1x128xi32>
    %sign3A_6 = arith.cmpi slt, %iota3A, %sign3A_5 : vector<1x128xi32>
    %sign3A_7 = arith.extui %sign3A_6 : vector<1x128xi1> to vector<1x128xi32>
    %sign3A_8 = arith.subi %sign3A_3, %sign3A_7 : vector<1x128xi32>
    %sign3A_9 = arith.constant 0 : i32
    %sign3A_10 = arith.cmpi sgt, %jit3A, %sign3A_9 : i32
    %sign3A_11 = arith.extui %sign3A_10 : i1 to i32
    %sign3A_12 = arith.constant 0 : i32
    %sign3A_13 = arith.cmpi slt, %jit3A, %sign3A_12 : i32
    %sign3A_14 = arith.extui %sign3A_13 : i1 to i32
    %sign3A_15 = arith.subi %sign3A_11, %sign3A_14 : i32
    %ne3A = vector.broadcast %sign3A_15 : i32 to vector<1x128xi32>
    %ne3A_16 = arith.cmpi ne, %sign3A_8, %ne3A : vector<1x128xi32>
    %rem3A = vector.broadcast %jit3A : i32 to vector<1x128xi32>
    %rem3A_17 = arith.remsi %iota3A, %rem3A : vector<1x128xi32>
    %ne3A_18 = arith.constant 0 : i32
    %ne3A_19 = vector.broadcast %ne3A_18 : i32 to vector<1x128xi32>
    %ne3A_20 = arith.cmpi ne, %rem3A_17, %ne3A_19 : vector<1x128xi32>
    %and3A = arith.andi %ne3A_16, %ne3A_20 : vector<1x128xi1>
    %sub3A = arith.constant 1 : i32
    %sub3A_21 = vector.broadcast %sub3A : i32 to vector<1x128xi32>
    %sub3A_22 = arith.subi %div3A_0, %sub3A_21 : vector<1x128xi32>
    %select_n3A = arith.select %and3A, %sub3A_22, %div3A_0 : vector<1x128xi1>, vector<1x128xi32>
    %convert_element_type3A = arith.sitofp %select_n3A : vector<1x128xi32> to vector<1x128xf32>
    %mul3A = arith.constant -0.14391157 : f32
    %mul3A_23 = vector.broadcast %mul3A : f32 to vector<1x128xf32>
    %mul3A_24 = arith.mulf %convert_element_type3A, %mul3A_23 : vector<1x128xf32>
    %exp3A = math.exp %mul3A_24 : vector<1x128xf32>
    %jit3A_25 = arith.constant 2 : i32
    %eq3A = arith.constant 0 : i32
    %eq3A_26 = arith.cmpi eq, %jit3A_25, %eq3A : i32
    %jit3A_27 = arith.constant 1 : i32
    %select_n3A_28 = arith.select %eq3A_26, %jit3A_27, %jit3A_25 : i32
    %rem3A_29 = vector.broadcast %select_n3A_28 : i32 to vector<1x128xi32>
    %rem3A_30 = arith.remsi %iota3A, %rem3A_29 : vector<1x128xi32>
    %ne3A_31 = arith.constant 0 : i32
    %ne3A_32 = vector.broadcast %ne3A_31 : i32 to vector<1x128xi32>
    %ne3A_33 = arith.cmpi ne, %rem3A_30, %ne3A_32 : vector<1x128xi32>
    %lt3A = arith.constant 0 : i32
    %lt3A_34 = vector.broadcast %lt3A : i32 to vector<1x128xi32>
    %lt3A_35 = arith.cmpi slt, %rem3A_30, %lt3A_34 : vector<1x128xi32>
    %lt3A_36 = arith.constant 0 : i32
    %lt3A_37 = arith.cmpi slt, %select_n3A_28, %lt3A_36 : i32
    %ne3A_38 = vector.broadcast %lt3A_37 : i1 to vector<1x128xi1>
    %ne3A_39 = vector.broadcast %ne3A_38 : vector<1x128xi1> to vector<1x128xi1>
    %ne3A_40 = arith.xori %lt3A_35, %ne3A_39 : vector<1x128xi1>
    %and3A_41 = arith.andi %ne3A_40, %ne3A_33 : vector<1x128xi1>
    %add3A = vector.broadcast %select_n3A_28 : i32 to vector<1x128xi32>
    %add3A_42 = arith.addi %rem3A_30, %add3A : vector<1x128xi32>
    %select_n3A_43 = arith.select %and3A_41, %add3A_42, %rem3A_30 : vector<1x128xi1>, vector<1x128xi32>
    %eq3A_44 = arith.constant 0 : i32
    %eq3A_45 = vector.broadcast %eq3A_44 : i32 to vector<1x128xi32>
    %eq3A_46 = arith.cmpi eq, %select_n3A_43, %eq3A_45 : vector<1x128xi32>
    %jit3A_47 = arith.constant 0.000000e+00 : f32
    %jit3A_48 = arith.constant 1.57079637 : f32
    %broadcast_in_dim3A = vector.broadcast %jit3A_47 : f32 to vector<1x128xf32>
    %broadcast_in_dim3A_49 = vector.broadcast %jit3A_48 : f32 to vector<1x128xf32>
    %select_n3A_50 = arith.select %eq3A_46, %broadcast_in_dim3A, %broadcast_in_dim3A_49 : vector<1x128xi1>, vector<1x128xf32>
    %iota3A_51 = tpu.iota {dimensions = array<i32: 0>} : vector<16x128xi32>
    %convert_element_type3A_52 = arith.sitofp %iota3A_51 : vector<16x128xi32> to vector<16x128xf32>
    %mul3A_53 = arith.constant 1.280000e+02 : f32
    %mul3A_54 = vector.broadcast %mul3A_53 : f32 to vector<16x128xf32>
    %mul3A_55 = arith.mulf %convert_element_type3A_52, %mul3A_54 : vector<16x128xf32>
    %mul3A_56 = vector.broadcast %exp3A : vector<1x128xf32> to vector<16x128xf32>
    %mul3A_57 = arith.mulf %mul3A_55, %mul3A_56 : vector<16x128xf32>
    %add3A_58 = vector.broadcast %select_n3A_50 : vector<1x128xf32> to vector<16x128xf32>
    %add3A_59 = arith.addf %mul3A_57, %add3A_58 : vector<16x128xf32>
    %iota3A_60 = tpu.iota {dimensions = array<i32: 0>} : vector<128x128xi32>
    %convert_element_type3A_61 = arith.sitofp %iota3A_60 : vector<128x128xi32> to vector<128x128xf32>
    %mul3A_62 = vector.broadcast %exp3A : vector<1x128xf32> to vector<128x128xf32>
    %mul3A_63 = arith.mulf %convert_element_type3A_61, %mul3A_62 : vector<128x128xf32>
    %sin3A = math.sin %add3A_59 : vector<16x128xf32>
    %cos3A = math.cos %add3A_59 : vector<16x128xf32>
    %sin3A_64 = math.sin %mul3A_63 : vector<128x128xf32>
    %cos3A_65 = math.cos %mul3A_63 : vector<128x128xf32>
    %broadcast_in_dim3A_66 = vector.shape_cast %sin3A : vector<16x128xf32> to vector<16x1x128xf32>
    %broadcast_in_dim3A_67 = vector.shape_cast %cos3A_65 : vector<128x128xf32> to vector<1x128x128xf32>
    %mul3A_68 = vector.broadcast %broadcast_in_dim3A_66 : vector<16x1x128xf32> to vector<16x128x128xf32>
    %mul3A_69 = vector.broadcast %broadcast_in_dim3A_67 : vector<1x128x128xf32> to vector<16x128x128xf32>
    %mul3A_70 = arith.mulf %mul3A_68, %mul3A_69 : vector<16x128x128xf32>
    %broadcast_in_dim3A_71 = vector.shape_cast %cos3A : vector<16x128xf32> to vector<16x1x128xf32>
    %broadcast_in_dim3A_72 = vector.shape_cast %sin3A_64 : vector<128x128xf32> to vector<1x128x128xf32>
    %mul3A_73 = vector.broadcast %broadcast_in_dim3A_71 : vector<16x1x128xf32> to vector<16x128x128xf32>
    %mul3A_74 = vector.broadcast %broadcast_in_dim3A_72 : vector<1x128x128xf32> to vector<16x128x128xf32>
    %mul3A_75 = arith.mulf %mul3A_73, %mul3A_74 : vector<16x128x128xf32>
    %add3A_76 = arith.addf %mul3A_70, %mul3A_75 : vector<16x128x128xf32>
    %reshape3A = vector.shape_cast %add3A_76 : vector<16x128x128xf32> to vector<262144xf32>
    %swap3A = arith.constant 0 : index
    %swap3A_77 = vector.load %arg0[%swap3A] : memref<262144xf32, #tpu.memory_space<vmem>>, vector<262144xf32>
    tpu.vector_store %arg0[%swap3A], %reshape3A {strides = array<i32>} : memref<262144xf32, #tpu.memory_space<vmem>>, vector<262144xf32>,
    return
  }
}

</mosaic_0001>

<sc_bundles>
// kernel: kernel.4.cloned.1.call-start
scs
__scs_entry_jumppad:
0x0: {  	(pc) =	sbr.rel $0x88, $3  }
0x1: {  	(tag) =	ssettag $0x0;
	lr =	simm.s32 $0x1  }
0x2: {  	[smem:$0x3F9F] =	sst lr;
	_ =	strace $0xD0000000  }
0x3: {  	_ = 	snop  }
0x4: {  	_ = 	snop  }
0x5: {  	_ = 	snop  }
0x6: {  	_ = 	snop  }
0x7: {  	_ = 	snop  }
__scs_overlays_trampoline_lowered:
0x8: {  	[smem:$0x3FAE] =	sst s0  }
0x9: {  	[smem:$0x3FAF] =	sst s1  }
0xa: {  	[smem:$0x3FB0] =	sst s2  }
0xb: {  	[smem:$0x3FB1] =	sst s3  }
0xc: {  	[smem:$0x3FB2] =	sst s4  }
0xd: {  	[smem:$0x3FB3] =	sst s5  }
0xe: {  	[smem:$0x3FB4] =	sst s6  }
0xf: {  	[smem:$0x3FB5] =	sst s7  }
0x10: {  	[smem:$0x3FB6] =	sst s8  }
0x11: {  	[smem:$0x3FB7] =	sst s9;
	s0 =	simm.s32 @!p0 $0x0  }
0x12: {  	s1 =	sld [smem:$0x3F9D];
	s0 =	simm.s32 @p0 $0x1  }
0x13: {  	[smem:$0x3FB8] =	sst s0;
	s0 =	simm.s32 @!p1 $0x0  }
0x14: {  	s2 =	sld [smem:$0x3F9C];
	s0 =	simm.s32 @p1 $0x1  }
0x15: {  	[smem:$0x3FB9] =	sst s0;
	s0 =	simm.s32 @!p2 $0x0  }
0x16: {  	s3 =	sld [smem:$0x3FDB];
	s0 =	simm.s32 @p2 $0x1  }
0x17: {  	s4 =	simm.s32 $0x1BF5;
	[smem:$0x3FBB] =	sst s0  }
0x18: {  	s0 =	sld [smem:$0x3F9E];
	_ =	swait.ge [sflag:s4], $0x0  }
0x19: {  	s7 =	sld [smem:$0x3F9F]  }
0x1a: {  	s8 =	sadd.s32 $0xFFFFE003, lr  }
0x1b: {  	s9 =	sadd.s32 $0xFFFFFEF7, lr;
	s5 =	simm.s32 $0xFFFFFFFF;
	p2 =	slt.u32 s8, $0xFFFFF086  }
0x1c: {  	p1 =	slt.u32 s9, $0xF7A;
	s5 =	simm.s32 @!p2 $0x0  }
0x1d: {  	s5 =	simm.s32 @p1 $0x1;
	p0 =	seq.s32 s7, s2  }
0x1e: {  	s7 =	smul.u32 @!p0 $0xF7A, s2;
	p2 =	seq.s32 @!p0 s5, $0x0  }
0x1f: {  	s9 =	smul.u32 $0xF7A, s1;
	s8 =	simm.s32 @!p0 $0x1BF5;
	p2 =	por !p2, p0  }
0x20: {  	[sflag:s8] =	ssyncset.s32 @!p0 $0xFFFFF086;
	s6 =	sadd.s32 @!p0 s3, s7;
	s7 =	simm.s32 @!p0 $0x108  }
0x21: {  	s3 =	sadd.s32 s3, s9;
	s6 =	sadd.s32 @!p0 $0x88, s6;
	s7 =	simm.s32 @p2 $0x1082  }
0x22: {  	[simem:s7], [sflag:s8] =	dma.local @!p0 [hbm:s6], $0xF7A  }
0x23: {  	s9 =	sor.u32 $0xD0000000, s2;
	s6 =	simm.s32 $0x108;
	_ =	swait.ge @!p0 [sflag:s8], $0x0  }
0x24: {  	s3 =	sadd.s32 $0x88, s3;
	s6 =	simm.s32 @!p1 $0x1082;
	[sflag:s4] =	ssyncset.s32 $0xFFFFF086  }
0x25: {  	[simem:s6], [sflag:s4] =	dma.local [hbm:s3], $0xF7A  }
0x26: {  	[smem:$0x3F9F] =	sst s1;
	(tag) =	ssettag s2;
	_ =	strace s9  }
0x27: {  	s1 =	sld [smem:$0x3FAF]  }
0x28: {  	s2 =	sld [smem:$0x3FB0]  }
0x29: {  	s4 =	sld [smem:$0x3FB2]  }
0x2a: {  	p0 =	seq.s32 s5, $0x0;
	s5 =	sld [smem:$0x3FB3]  }
0x2b: {  	s6 =	sld [smem:$0x3FB4]  }
0x2c: {  	s7 =	sld [smem:$0x3FB5]  }
0x2d: {  	s3 =	simm.s32 $0x108;
	s8 =	sld [smem:$0x3FB6]  }
0x2e: {  	s3 =	simm.s32 @!p0 $0x1082;
	s9 =	sld [smem:$0x3FB7]  }
0x2f: {  	lr =	sadd.s32 s0, s3;
	s0 =	sld [smem:$0x3FAE]  }
0x30: {  	s3 =	sld [smem:$0x3FB1]  }
0x31: {  	[smem:$0x3FBA] =	sst s10  }
0x32: {  	s10 =	sld [smem:$0x3FB8];
	_ =	sdelay $0x3  }
0x33: {  	p0 =	seq.s32 s10, $0x1;
	s10 =	sld [smem:$0x3FBA];
	_ =	sdelay $0x3  }
0x34: {  	[smem:$0x3FBA] =	sst s10  }
0x35: {  	s10 =	sld [smem:$0x3FB9];
	_ =	sdelay $0x3  }
0x36: {  	p1 =	seq.s32 s10, $0x1;
	s10 =	sld [smem:$0x3FBA];
	_ =	sdelay $0x3  }
0x37: {  	[smem:$0x3FBA] =	sst s10  }
0x38: {  	s10 =	sld [smem:$0x3FBB]  }
0x39: {  	_ = 	snop;
	(pc) =	sbr.ind lr, $3  }
0x3a: {  	_ = 	snop  }
0x3b: {  	_ = 	snop  }
0x3c: {  	p2 =	seq.s32 s10, $0x1;
	s10 =	sld [smem:$0x3FBA]  }
0x3d: {  	_ =	shalt  }
0x3e: {  	_ =	shalt  }
0x3f: {  	_ =	shalt  }
0x40: {  	_ =	shalt  }
0x41: {  	_ =	shalt  }
0x42: {  	_ =	shalt  }
0x43: {  	_ =	shalt  }
0x44: {  	_ =	shalt  }
0x45: {  	_ =	shalt  }
0x46: {  	_ =	shalt  }
0x47: {  	_ =	shalt  }
0x48: {  	_ =	shalt  }
0x49: {  	_ =	shalt  }
0x4a: {  	_ =	shalt  }
0x4b: {  	_ =	shalt  }
0x4c: {  	_ =	shalt  }
0x4d: {  	_ =	shalt  }
0x4e: {  	_ =	shalt  }
0x4f: {  	_ =	shalt  }
0x50: {  	_ =	shalt  }
0x51: {  	_ =	shalt  }
0x52: {  	_ =	shalt  }
0x53: {  	_ =	shalt  }
0x54: {  	_ =	shalt  }
0x55: {  	_ =	shalt  }
0x56: {  	_ =	shalt  }
0x57: {  	_ =	shalt  }
0x58: {  	_ =	shalt  }
0x59: {  	_ =	shalt  }
0x5a: {  	_ =	shalt  }
0x5b: {  	_ =	shalt  }
0x5c: {  	_ =	shalt  }
0x5d: {  	_ =	shalt  }
0x5e: {  	_ =	shalt  }
0x5f: {  	_ =	shalt  }
0x60: {  	_ =	shalt  }
0x61: {  	_ =	shalt  }
0x62: {  	_ =	shalt  }
0x63: {  	_ =	shalt  }
0x64: {  	_ =	shalt  }
0x65: {  	_ =	shalt  }
0x66: {  	_ =	shalt  }
0x67: {  	_ =	shalt  }
0x68: {  	_ =	shalt  }
0x69: {  	_ =	shalt  }
0x6a: {  	_ =	shalt  }
0x6b: {  	_ =	shalt  }
0x6c: {  	_ =	shalt  }
0x6d: {  	_ =	shalt  }
0x6e: {  	_ =	shalt  }
0x6f: {  	_ =	shalt  }
0x70: {  	_ =	shalt  }
0x71: {  	_ =	shalt  }
0x72: {  	_ =	shalt  }
0x73: {  	_ =	shalt  }
0x74: {  	_ =	shalt  }
0x75: {  	_ =	shalt  }
0x76: {  	_ =	shalt  }
0x77: {  	_ =	shalt  }
0x78: {  	_ =	shalt  }
0x79: {  	_ =	shalt  }
0x7a: {  	_ =	shalt  }
0x7b: {  	_ =	shalt  }
0x7c: {  	_ =	shalt  }
0x7d: {  	_ =	shalt  }
0x7e: {  	_ =	shalt  }
0x7f: {  	_ =	shalt  }
0x80: {  	_ =	shalt  }
0x81: {  	_ =	shalt  }
0x82: {  	_ =	shalt  }
0x83: {  	_ =	shalt  }
0x84: {  	_ =	shalt  }
0x85: {  	_ =	shalt  }
0x86: {  	_ =	shalt  }
0x87: {  	_ =	shalt  }
.Lfunc_end0:
.L_simem_size_0:
called_computation_lowered:
.L_overlay_start_0:
0x88: {  	s2 =	sld [smem:$0x3FD9]  }
0x89: {  	s3 =	sld [smem:$0x3FFE];
	_ =	sdelay $0x1  }
0x8a: {  	s1 =	srdreg.scid  }
0x8b: {  	s0 =	sand.u32 $0x1, s1  }
0x8c: {  	s17 =	sshll.u32 s0, $0xA;
	s2 =	sadd.s32 s3, s2  }
0x8d: {  	s2 =	sadd.s32 s2, s17  }
0x8e: {  	[smem:$0x3FC6] =	sst s2  }
0x8f: {  	_ = 	snop  }
0x90: {  	s2 =	sld [smem:$0x3FC9]  }
0x91: {  	s18 =	sld [smem:$0x3FC8]  }
0x92: {  	s4 =	sld [smem:$0x3FD0];
	(tm) =	ssettm $0x1  }
0x93: {  	s5 =	sld [smem:$0x3FFB];
	_ =	sdelay $0x3  }
0x94: {  	_ =	strace s5  }
0x95: {  	s5 =	sld [smem:$0x3FFC];
	_ =	sdelay $0x3  }
0x96: {  	_ =	strace s5  }
0x97: {  	s5 =	sld [smem:$0x3FFD];
	_ =	sdelay $0x3  }
0x98: {  	_ =	strace s5  }
0x99: {  	_ =	strace $0x8FFFFFFF  }
0x9a: {  	s19 =	sld [smem:$0x3FDB];
	_ =	sdelay $0x1  }
0x9b: {  	s6 =	simm.s32 $_scs_section_size  }
0x9c: {  	s7 =	simm.s32 $_size__tile_overlayer_lowered;
	s8 =	simm.s32 $_tile_overlayer_lowered  }
0x9d: {  	s22 =	simm.s32 $0x1BFF;
	s21 =	sshll.u32 s8, $0x1;
	s5 =	sadd.s32 s6, s19  }
0x9e: {  	s9 =	simm.s32 $0x0;
	s20 =	sshll.u32 s7, $0x1;
	s7 =	sadd.s32 s21, s5  }
0x9f: {  	[timem:s9], [sflag:s22] =	dma.local [hbm:s7], s20  }
0xa0: {  	_ =	swait.ge [sflag:s22], s20  }
0xa1: {  	s6 =	ssub.s32 $0x0, s20;
	[sflag:s22] =	ssyncset.done $0x0  }
0xa2: {  	[sflag:s22] =	ssyncadd.s32 s6;
	_ =	sdelay $0x1  }
0xa3: {  	s23 =	simm.s32 $0x1B8B  }
0xa4: {  	_ =	swait.ge [sflag:s23], $0x1  }
0xa5: {  	[sflag:s23] =	ssyncset.done $0x0  }
0xa6: {  	s25 =	simm.s32 $0x1B8E;
	s24 =	sld [smem:$0x3FFE];
	[sflag:s23] =	ssyncadd.s32 $0xFFFFFFFF  }
0xa7: {  	s26 =	simm.s32 $execute0_lowered;
	[smem:$0x3FD2] =	sst s25  }
0xa8: {  	s7 =	sshll.u32 s26, $0x1;
	_ =	strace $0x80000046;
	[dreg:$0x1] =	wrdreg $0xFFFFFFFF  }
0xa9: {  	s28 =	simm.s32 $_size_execute0_lowered;
	s5 =	sadd.s32 s5, s7;
	[dreg:$0x0] =	wrdreg $0x0  }
0xaa: {  	s7 =	sshll.u32 s28, $0x1;
	[dreg:$0x2] =	wrdreg s5  }
0xab: {  	[dreg:$0x3] =	wrdreg s7  }
0xac: {  	[dreg:$0x4] =	wrdreg $0xC0  }
0xad: {  	_ =	task [dreg:s9], $0x5FFFF  }
0xae: {  	[dreg:$0x1] =	wrdreg $0xFFFFFFFF  }
0xaf: {  	[dreg:$0x0] =	wrdreg $0x60  }
0xb0: {  	[dreg:$0x2] =	wrdreg s18  }
0xb1: {  	[dreg:$0x3] =	wrdreg s2  }
0xb2: {  	[dreg:$0x4] =	wrdreg s24  }
0xb3: {  	[dreg:$0x5] =	wrdreg s4  }
0xb4: {  	[dreg:$0x6] =	wrdreg $0x181000  }
0xb5: {  	[dreg:$0x7] =	wrdreg $0x9  }
0xb6: {  	_ =	task.clear_ibuf [dreg:s9], $0x8FFFF;
	_ =	strace $0x90000046  }
0xb7: {  	s29 =	simm.s32 $0x9;
	_ =	strace $0x80000048  }
0xb8: {  	_ =	swait.ge [sflag:s29], $0x1  }
0xb9: {  	[sflag:s29] =	ssyncadd.s32 $0xFFFFFFFF  }
0xba: {  	_ =	strace $0x90000048  }
0xbb: {  	_ =	sfence  }
0xbc: {  	s30 =	sld [smem:$0x0];
	_ =	sdelay $0x2  }
0xbd: {  	s31 =	sshll.u32 s1, $0xD;
	s1 =	sshrl.u32 s1, $0x2  }
0xbe: {  	s3 =	sand.u32 $0x4000, s31;
	s1 =	sadd.s32 s1, s30  }
0xbf: {  	s0 =	sor.u32 s3, s0;
	s1 =	sshll.u32 s1, $0x11  }
0xc0: {  	s0 =	sor.u32 s1, s0  }
0xc1: {  	s0 =	sadd.s32 $0x8F2B, s0  }
0xc2: {  	[sflag:s0] =	ssyncadd.remote.s32 $0x1  }
0xc3: {  	_ =	sfence.sel $0xFFFF  }
0xc4: {  	[dreg:$0x0] =	wrdreg $0xFFFFFFFF;
	(pc) =	sbr.abs _section_cstart, $3  }
0xc5: {  	[dreg:$0x1] =	wrdreg $0xFFFFFFFF  }
0xc6: {  	_ =	task.clear_ibuf [dreg:s9], $0x2FFFF;
	_ =	strace $0x9FFFFFFF  }
0xc7: {  	(tm) =	ssettm $0x7FFFFFFF  }
tec
execute0_lowered:
.L_overlay_start_1:
0x0: {  	(tag) =	ssettag $0x1  }
0x1: {  	s1 =	rddreg [dreg:$0x0]  }
0x2: {  	s0 =	rddreg [dreg:$0x1]  }
0x3: {  	s2 =	rddreg [dreg:$0x2]  }
0x4: {  	s4 =	rddreg [dreg:$0x3]  }
0x5: {  	s6 =	rddreg [dreg:$0x4]  }
0x6: {  	s15 =	stileid.u32;
	s5 =	srdreg.scid;
	s3 =	simm.s32 $0x0  }
0x7: {  	s17 =	simm.s32 $0x80;
	s18 =	simm.s32 $0x200;
	s19 =	simm.s32 $0xB  }
0x8: {  	s20 =	simm.s32 $0x40;
	s31 =	simm.s32 $0x1;
	s21 =	simm.s32 $0x2  }
0x9: {  	s28 =	simm.s32 $0x4;
	s29 =	simm.s32 $0x8;
	s7 =	sshll.u32 s15, $0x1  }
0xa: {  	s5 =	sand.u32 $0x1, s5;
	[smem:$0x7FF] =	sst s3;
	s10 =	sshll.u32 s15, $0x7  }
0xb: {  	s22 =	sshrl.u32 s15, $0x2;
	p0 =	sgt.u32 s15, $0x3;
	s7 =	sand.u32 $0x6, s7  }
0xc: {  	_ =	strace $0x80000047;
	s16 =	sadd.s32 s10, s6;
	s24 =	sshll.u32 s22, $0x4  }
0xd: {  	s25 =	sand.u32 $0x180, s10;
	s26 =	sshll.u32 s22, $0xF;
	s22 =	simm.s32 $0x6  }
0xe: {  	s7 =	sor.u32 s5, s7;
	s5 =	ssub.s32 $0x2, s5;
	s0 =	sadd.s32 s0, s24  }
0xf: {  	s6 =	sadd.s32 s25, s6;
	s16 =	sshrl.u32 @!p0 s16, $0x3;
	s24 =	simm.s32 $0x3  }
0x10: {  	s25 =	simm.s32 $0x7;
	s8 =	sshll.u32 s7, $0xC;
	s9 =	sshrl.u32 s5, $0x1  }
0x11: {  	s23 =	sshll.u32 s7, $0x7;
	s7 =	sadd.s32 $0x8000, s6;
	s10 =	sadd.s32 $0x18000, s6  }
0x12: {  	s2 =	sadd.s32 s8, s2;
	s14 =	ssub.s32 s5, s9;
	s0 =	sadd.s32 s23, s0  }
0x13: {  	s30 =	sor.u32 s26, s8;
	s8 =	sadd.s32 $0x10000, s6;
	s23 =	simm.s32 $0x0  }
0x14: {  	s2 =	sadd.s32 $0x600, s2;
	[dreg:$0x7] =	wrdreg s0;
	s9 =	sadd.s32 s4, s30  }
0x15: {  	s0 =	sshll.u32 @!p0 s15, $0x6;
	s14 =	smax.u32 s14, $0x1;
	[dreg:$0x6] =	wrdreg s2  }
0x16: {  	s11 =	sadd.s32 $0x400, s9;
	s12 =	sadd.s32 $0x800, s9;
	s13 =	sadd.s32 $0xC00, s9  }
0x17: {  	s15 =	sor.u32 @!p0 $0x1C0A, s0;
	s0 =	simm.s32 $0x5;
	s2 =	simm.s32 $0x9  }
.LBB2_1:
0x18: {  	s4 =	simm.s32 @!p0 $0x1  }
0x19: {  	s26 =	simm.s32 @!p0 $0x40;
	s30 =	simm.s32 @!p0 $0x10;
	s5 =	rddreg [dreg:$0x6]  }
0x1a: {  	[spmem:s16@s26], [sflag:s15] =	dma.strided @!p0 [hbm:s5@s30], $0x1000, s4, $0x10   }
0x1b: {  	s4 =	rddreg [dreg:$0x7]  }
0x1c: {  	[tilespmem:s3], [sflag:$0xB] =	stream.strided.gather [hbm4b:s4+s17], $0x100, s18, s17, $0x38;
	[tilespmem:$0x1A100] =	vst v63  }
0x1d: {  	_ =	swait.ge [sflag:s19], $0x100  }
0x1e: {  	[sflag:s19] =	ssyncset.done $0x0  }
0x1f: {  	s26 =	simm.s32 $0x100;
	[sflag:s19] =	ssyncadd.s32 $0xFFFFFF00  }
0x20: {  	[tilespmem:s26], [sflag:$0x1] =	stream.indirect.gather [hbm4b:s1+s20], $0x80, s3, s20, $0xb8;
	[tilespmem:$0x1A100] =	vst v63  }
0x21: {  	s5 =	simm.s32 $0x2100  }
0x22: {  	[tilespmem:s5], [sflag:$0x2] =	stream.indirect.gather [hbm4b:s1+s20], $0x80, s20, s20, $0xb8;
	[tilespmem:$0x1A100] =	vst v63  }
0x23: {  	s26 =	simm.s32 $0x4100  }
0x24: {  	[tilespmem:s26], [sflag:$0x3] =	stream.indirect.gather [hbm4b:s1+s20], $0x80, s17, s20, $0xb8;
	[tilespmem:$0x1A100] =	vst v63  }
0x25: {  	s4 =	simm.s32 @!p0 $0xA;
	s5 =	simm.s32 $0xC0;
	s26 =	simm.s32 $0x6100  }
0x26: {  	[tilespmem:s26], [sflag:$0x4] =	stream.indirect.gather [hbm4b:s1+s20], $0x80, s5, s20, $0xb8;
	[tilespmem:$0x1A100] =	vst v63  }
0x27: {  	_ =	swait.ge @!p0 [sflag:s4], $0x1000  }
0x28: {  	[sflag:s4] =	ssyncset.done @!p0 $0x0  }
0x29: {  	[sflag:s4] =	ssyncadd.s32 @!p0 $0xFFFFF000  }
0x2a: {  	s5 =	simm.s32 $0x10100;
	[bflag:$0x0] =	sbarrier.arrive $0xFFFF  }
0x2b: {  	[tilespmem:s5], [sflag:$0x5] =	stream.strided.gather [spmem:s6], $0x2000, s18, s17, $0x38;
	[tilespmem:$0x1A100] =	vst v63  }
0x2c: {  	s26 =	simm.s32 $0x12100  }
0x2d: {  	[tilespmem:s26], [sflag:$0x6] =	stream.strided.gather [spmem:s7], $0x2000, s18, s17, $0x38;
	[tilespmem:$0x1A100] =	vst v63  }
0x2e: {  	s5 =	simm.s32 $0x14100  }
0x2f: {  	[tilespmem:s5], [sflag:$0x7] =	stream.strided.gather [spmem:s8], $0x2000, s18, s17, $0x38;
	[tilespmem:$0x1A100] =	vst v63  }
0x30: {  	s26 =	simm.s32 $0x16100  }
0x31: {  	[tilespmem:s26], [sflag:$0x8] =	stream.strided.gather [spmem:s10], $0x2000, s18, s17, $0x38;
	[tilespmem:$0x1A100] =	vst v63  }
0x32: {  	_ =	swait.ge [sflag:s31], $0x2000  }
0x33: {  	[sflag:s31] =	ssyncset.done $0x0  }
0x34: {  	[sflag:s31] =	ssyncadd.s32 $0xFFFFE000  }
0x35: {  	_ =	swait.ge [sflag:s0], $0x2000  }
0x36: {  	[sflag:s0] =	ssyncset.done $0x0  }
0x37: {  	s26 =	simm.s32 $0x0;
	[sflag:s0] =	ssyncadd.s32 $0xFFFFE000  }
0x38: {  	v0 =	vld [tilespmem:s26+$0x170]  }
0x39: {  	v1 =	vld [tilespmem:s26+$0x100]  }
0x3a: {  	v2 =	vld [tilespmem:s26+$0x10170]  }
0x3b: {  	v3 =	vld [tilespmem:s26+$0x110]  }
0x3c: {  	v4 =	vld [tilespmem:s26+$0x120]  }
0x3d: {  	v7 =	vld [tilespmem:s26+$0x130]  }
0x3e: {  	v9 =	vld [tilespmem:s26+$0x140]  }
0x3f: {  	v11 =	vld [tilespmem:s26+$0x150]  }
0x40: {  	v12 =	vld [tilespmem:s26+$0x160];
	v0 =	vmul.f32 $1.131370830e+01, v0  }
0x41: {  	v10 =	vld [tilespmem:s26+$0x10100]  }
0x42: {  	v13 =	vld [tilespmem:s26+$0x10110];
	v0 =	vadd.f32 v2, v0  }
0x43: {  	v8 =	vld [tilespmem:s26+$0x10120]  }
0x44: {  	v6 =	vld [tilespmem:s26+$0x10130];
	[tilespmem:s26+$0x8170] =	vst v0;
	v0 =	vmul.f32 $1.131370830e+01, v1  }
0x45: {  	v14 =	vmul.f32 $1.131370830e+01, v3;
	v5 =	vmul.f32 $1.131370830e+01, v4;
	v4 =	vld [tilespmem:s26+$0x10140]  }
0x46: {  	v3 =	vmul.f32 $1.131370830e+01, v7;
	v7 =	vld [tilespmem:s26+$0x10150];
	v2 =	vmul.f32 $1.131370830e+01, v9;
	v10 =	vadd.f32 v10, v0  }
0x47: {  	s30 =	simm.s32 $0x80;
	s4 =	simm.s32 $0x400;
	v9 =	vld [tilespmem:s26+$0x10160];
	v1 =	vmul.f32 $1.131370830e+01, v11;
	v11 =	vadd.f32 v13, v14;
	v0 =	vmul.f32 $1.131370830e+01, v12  }
.LBB2_2:
0x48: {  	p1 =	sne.s32 s4, $0x7E00;
	v12 =	vld [tilespmem:s30+$0x170];
	[tilespmem:s26+$0x8100] =	vst v10;
	v5 =	vadd.f32 v8, v5  }
0x49: {  	v8 =	vld [tilespmem:s30+$0x100];
	[tilespmem:s26+$0x8110] =	vst v11;
	v3 =	vadd.f32 v6, v3  }
0x4a: {  	v6 =	vld [tilespmem:s30+$0x10170];
	[tilespmem:s26+$0x8120] =	vst v5;
	v2 =	vadd.f32 v4, v2  }
0x4b: {  	v4 =	vld [tilespmem:s30+$0x110];
	[tilespmem:s26+$0x8130] =	vst v3;
	v1 =	vadd.f32 v7, v1  }
0x4c: {  	v3 =	vld [tilespmem:s30+$0x120];
	[tilespmem:s26+$0x8140] =	vst v2;
	v0 =	vadd.f32 v9, v0  }
0x4d: {  	v2 =	vld [tilespmem:s30+$0x130];
	v5 =	vmul.f32 $1.131370830e+01, v12;
	[tilespmem:s26+$0x8150] =	vst v1  }
0x4e: {  	v7 =	vmul.f32 $1.131370830e+01, v8;
	v1 =	vld [tilespmem:s30+$0x140];
	[tilespmem:s26+$0x8160] =	vst v0;
	s26 =	smov.u32 s30  }
0x4f: {  	v0 =	vld [tilespmem:s26+$0x150];
	v6 =	vadd.f32 v6, v5  }
0x50: {  	v9 =	vmul.f32 $1.131370830e+01, v4;
	v10 =	vld [tilespmem:s26+$0x160]  }
0x51: {  	v11 =	vld [tilespmem:s26+$0x10100];
	v5 =	vmul.f32 $1.131370830e+01, v3;
	[tilespmem:s26+$0x8170] =	vst v6  }
0x52: {  	v12 =	vld [tilespmem:s26+$0x10110];
	v3 =	vmul.f32 $1.131370830e+01, v2  }
.Ltmp0:
0x53: {  	v8 =	vld [tilespmem:s26+$0x10120];
	v2 =	vmul.f32 $1.131370830e+01, v1;
	(pc) =	sbr.rel @p1 .LBB2_2-.Ltmp0, $4  }
0x54: {  	v6 =	vld [tilespmem:s26+$0x10130];
	v1 =	vmul.f32 $1.131370830e+01, v0  }
0x55: {  	v4 =	vld [tilespmem:s26+$0x10140];
	v0 =	vmul.f32 $1.131370830e+01, v10  }
0x56: {  	v10 =	vadd.f32 v11, v7;
	v7 =	vld [tilespmem:s26+$0x10150]  }
0x57: {  	s30 =	sshra.s32 s4, $0x2;
	s4 =	sadd.s32 $0x200, s4;
	v11 =	vadd.f32 v12, v9;
	v9 =	vld [tilespmem:s26+$0x10160]  }
0x58: {  	v12 =	vld [tilespmem:s30+$0x170];
	[tilespmem:s26+$0x8100] =	vst v10;
	v5 =	vadd.f32 v8, v5  }
0x59: {  	v10 =	vld [tilespmem:s30+$0x100];
	[tilespmem:s26+$0x8110] =	vst v11;
	v3 =	vadd.f32 v6, v3  }
0x5a: {  	v8 =	vld [tilespmem:s30+$0x10170];
	[tilespmem:s26+$0x8120] =	vst v5;
	v2 =	vadd.f32 v4, v2  }
0x5b: {  	v5 =	vld [tilespmem:s30+$0x110];
	[tilespmem:s26+$0x8130] =	vst v3;
	v1 =	vadd.f32 v7, v1  }
0x5c: {  	v3 =	vld [tilespmem:s30+$0x120];
	[tilespmem:s26+$0x8140] =	vst v2;
	v0 =	vadd.f32 v9, v0  }
0x5d: {  	v2 =	vld [tilespmem:s30+$0x130];
	[tilespmem:s26+$0x8150] =	vst v1  }
0x5e: {  	v4 =	vmul.f32 $1.131370830e+01, v12;
	v1 =	vld [tilespmem:s30+$0x140];
	[tilespmem:s26+$0x8160] =	vst v0  }
0x5f: {  	v0 =	vld [tilespmem:s30+$0x150]  }
0x60: {  	v4 =	vadd.f32 v8, v4;
	v7 =	vld [tilespmem:s30+$0x10100]  }
0x61: {  	v8 =	vld [tilespmem:s30+$0x10120]  }
0x62: {  	[tilespmem:s30+$0x8170] =	vst v4;
	v4 =	vld [tilespmem:s30+$0x10110]  }
0x63: {  	v6 =	vld [tilespmem:s30+$0x160]  }
0x64: {  	v9 =	vmul.f32 $1.131370830e+01, v10;
	v10 =	vld [tilespmem:s30+$0x10130]  }
0x65: {  	v11 =	vld [tilespmem:s30+$0x10140];
	v5 =	vmul.f32 $1.131370830e+01, v5;
	v3 =	vmul.f32 $1.131370830e+01, v3  }
0x66: {  	v7 =	vadd.f32 v7, v9;
	v9 =	vld [tilespmem:s30+$0x10150]  }
0x67: {  	v2 =	vmul.f32 $1.131370830e+01, v2;
	v3 =	vadd.f32 v8, v3;
	v4 =	vadd.f32 v4, v5;
	v5 =	vld [tilespmem:s30+$0x10160]  }
0x68: {  	v1 =	vmul.f32 $1.131370830e+01, v1;
	[tilespmem:s30+$0x8100] =	vst v7  }
0x69: {  	v0 =	vmul.f32 $1.131370830e+01, v0;
	v2 =	vadd.f32 v10, v2;
	[tilespmem:s30+$0x8120] =	vst v3  }
0x6a: {  	v1 =	vadd.f32 v11, v1;
	[tilespmem:s30+$0x8110] =	vst v4;
	v4 =	vmul.f32 $1.131370830e+01, v6  }
0x6b: {  	[tilespmem:s30+$0x8130] =	vst v2;
	v0 =	vadd.f32 v9, v0  }
0x6c: {  	[tilespmem:s30+$0x8140] =	vst v1;
	v1 =	vadd.f32 v5, v4  }
0x6d: {  	[tilespmem:s30+$0x8150] =	vst v0  }
0x6e: {  	s4 =	simm.s32 $0x0;
	s5 =	simm.s32 $0x8100;
	[tilespmem:s30+$0x8160] =	vst v1  }
0x6f: {  	[hbm4b:s9+s4] =	stream.linear.scatter [tilespmem:s5], [sflag:$0x9], $0x2000, $0x38;
	[tilespmem:$0x1A100] =	vst v63  }
0x70: {  	_ =	swait.ge [sflag:s21], $0x2000  }
0x71: {  	[sflag:s21] =	ssyncset.done $0x0  }
0x72: {  	[sflag:s21] =	ssyncadd.s32 $0xFFFFE000  }
0x73: {  	_ =	swait.ge [sflag:s22], $0x2000  }
0x74: {  	[sflag:s22] =	ssyncset.done $0x0  }
0x75: {  	s26 =	simm.s32 $0x0;
	[sflag:s22] =	ssyncadd.s32 $0xFFFFE000  }
0x76: {  	v0 =	vld [tilespmem:s26+$0x2170]  }
0x77: {  	v1 =	vld [tilespmem:s26+$0x2100]  }
0x78: {  	v2 =	vld [tilespmem:s26+$0x12170]  }
0x79: {  	v3 =	vld [tilespmem:s26+$0x2110]  }
0x7a: {  	v4 =	vld [tilespmem:s26+$0x2120]  }
0x7b: {  	v5 =	vld [tilespmem:s26+$0x2130]  }
0x7c: {  	v6 =	vld [tilespmem:s26+$0x2140]  }
0x7d: {  	v9 =	vld [tilespmem:s26+$0x2150]  }
0x7e: {  	v10 =	vld [tilespmem:s26+$0x2160]  }
0x7f: {  	v11 =	vld [tilespmem:s26+$0x12100]  }
0x80: {  	v63 =	vld [tilespmem:s26+$0x12110];
	v0 =	vmul.f32 $1.131370830e+01, v0  }
0x81: {  	v8 =	vld [tilespmem:s26+$0x12120]  }
0x82: {  	v7 =	vld [tilespmem:s26+$0x12130];
	v13 =	vmul.f32 $1.131370830e+01, v1;
	v14 =	vmul.f32 $1.131370830e+01, v3;
	v0 =	vadd.f32 v2, v0  }
0x83: {  	v4 =	vmul.f32 $1.131370830e+01, v4;
	v3 =	vmul.f32 $1.131370830e+01, v5;
	v5 =	vld [tilespmem:s26+$0x12140]  }
0x84: {  	v2 =	vmul.f32 $1.131370830e+01, v6;
	v6 =	vld [tilespmem:s26+$0x12150];
	[tilespmem:s26+$0xA170] =	vst v0;
	v0 =	vmul.f32 $1.131370830e+01, v10;
	v10 =	vadd.f32 v11, v13  }
0x85: {  	s30 =	simm.s32 $0x80;
	s4 =	simm.s32 $0x400;
	v1 =	vmul.f32 $1.131370830e+01, v9;
	v9 =	vld [tilespmem:s26+$0x12160];
	v11 =	vadd.f32 v63, v14  }
.LBB2_4:
0x86: {  	p1 =	sne.s32 s4, $0x7E00;
	v12 =	vld [tilespmem:s30+$0x2170];
	[tilespmem:s26+$0xA100] =	vst v10;
	v4 =	vadd.f32 v8, v4  }
0x87: {  	v8 =	vld [tilespmem:s30+$0x2100];
	[tilespmem:s26+$0xA110] =	vst v11;
	v3 =	vadd.f32 v7, v3  }
0x88: {  	v7 =	vld [tilespmem:s30+$0x12170];
	[tilespmem:s26+$0xA120] =	vst v4;
	v2 =	vadd.f32 v5, v2  }
0x89: {  	v4 =	vld [tilespmem:s30+$0x2110];
	[tilespmem:s26+$0xA130] =	vst v3;
	v1 =	vadd.f32 v6, v1  }
0x8a: {  	v3 =	vld [tilespmem:s30+$0x2120];
	[tilespmem:s26+$0xA140] =	vst v2;
	v0 =	vadd.f32 v9, v0  }
0x8b: {  	v2 =	vld [tilespmem:s30+$0x2130];
	v5 =	vmul.f32 $1.131370830e+01, v12;
	[tilespmem:s26+$0xA150] =	vst v1  }
0x8c: {  	v6 =	vmul.f32 $1.131370830e+01, v8;
	v1 =	vld [tilespmem:s30+$0x2140];
	[tilespmem:s26+$0xA160] =	vst v0;
	s26 =	smov.u32 s30  }
0x8d: {  	v0 =	vld [tilespmem:s26+$0x2150];
	v5 =	vadd.f32 v7, v5  }
0x8e: {  	v9 =	vmul.f32 $1.131370830e+01, v4;
	v10 =	vld [tilespmem:s26+$0x2160]  }
0x8f: {  	v11 =	vld [tilespmem:s26+$0x12100];
	v4 =	vmul.f32 $1.131370830e+01, v3;
	[tilespmem:s26+$0xA170] =	vst v5  }
0x90: {  	v12 =	vld [tilespmem:s26+$0x12110];
	v3 =	vmul.f32 $1.131370830e+01, v2  }
.Ltmp1:
0x91: {  	v8 =	vld [tilespmem:s26+$0x12120];
	v2 =	vmul.f32 $1.131370830e+01, v1;
	(pc) =	sbr.rel @p1 .LBB2_4-.Ltmp1, $4  }
0x92: {  	v7 =	vld [tilespmem:s26+$0x12130];
	v1 =	vmul.f32 $1.131370830e+01, v0  }
0x93: {  	v5 =	vld [tilespmem:s26+$0x12140];
	v0 =	vmul.f32 $1.131370830e+01, v10  }
0x94: {  	v10 =	vadd.f32 v11, v6;
	v6 =	vld [tilespmem:s26+$0x12150]  }
0x95: {  	s30 =	sshra.s32 s4, $0x2;
	s4 =	sadd.s32 $0x200, s4;
	v11 =	vadd.f32 v12, v9;
	v9 =	vld [tilespmem:s26+$0x12160]  }
0x96: {  	v12 =	vld [tilespmem:s30+$0x2170];
	[tilespmem:s26+$0xA100] =	vst v10;
	v4 =	vadd.f32 v8, v4  }
0x97: {  	v10 =	vld [tilespmem:s30+$0x2100];
	[tilespmem:s26+$0xA110] =	vst v11;
	v3 =	vadd.f32 v7, v3  }
0x98: {  	v8 =	vld [tilespmem:s30+$0x12170];
	[tilespmem:s26+$0xA120] =	vst v4;
	v2 =	vadd.f32 v5, v2  }
0x99: {  	v4 =	vld [tilespmem:s30+$0x2110];
	[tilespmem:s26+$0xA130] =	vst v3;
	v1 =	vadd.f32 v6, v1  }
0x9a: {  	v3 =	vld [tilespmem:s30+$0x2120];
	[tilespmem:s26+$0xA140] =	vst v2;
	v0 =	vadd.f32 v9, v0  }
0x9b: {  	v2 =	vld [tilespmem:s30+$0x2130];
	[tilespmem:s26+$0xA150] =	vst v1  }
0x9c: {  	v5 =	vmul.f32 $1.131370830e+01, v12;
	v1 =	vld [tilespmem:s30+$0x2140];
	[tilespmem:s26+$0xA160] =	vst v0  }
0x9d: {  	v0 =	vld [tilespmem:s30+$0x2150]  }
0x9e: {  	v5 =	vadd.f32 v8, v5;
	v7 =	vld [tilespmem:s30+$0x12100]  }
0x9f: {  	v8 =	vld [tilespmem:s30+$0x12120]  }
0xa0: {  	[tilespmem:s30+$0xA170] =	vst v5;
	v5 =	vld [tilespmem:s30+$0x12110]  }
0xa1: {  	v6 =	vld [tilespmem:s30+$0x2160]  }
0xa2: {  	v9 =	vmul.f32 $1.131370830e+01, v10;
	v10 =	vld [tilespmem:s30+$0x12130]  }
0xa3: {  	v11 =	vld [tilespmem:s30+$0x12140];
	v4 =	vmul.f32 $1.131370830e+01, v4;
	v3 =	vmul.f32 $1.131370830e+01, v3  }
0xa4: {  	v7 =	vadd.f32 v7, v9;
	v9 =	vld [tilespmem:s30+$0x12150]  }
0xa5: {  	v2 =	vmul.f32 $1.131370830e+01, v2;
	v3 =	vadd.f32 v8, v3;
	v4 =	vadd.f32 v5, v4;
	v5 =	vld [tilespmem:s30+$0x12160]  }
0xa6: {  	v1 =	vmul.f32 $1.131370830e+01, v1;
	[tilespmem:s30+$0xA100] =	vst v7  }
0xa7: {  	v0 =	vmul.f32 $1.131370830e+01, v0;
	v2 =	vadd.f32 v10, v2;
	[tilespmem:s30+$0xA120] =	vst v3  }
0xa8: {  	v1 =	vadd.f32 v11, v1;
	[tilespmem:s30+$0xA110] =	vst v4;
	v4 =	vmul.f32 $1.131370830e+01, v6  }
0xa9: {  	[tilespmem:s30+$0xA130] =	vst v2;
	v0 =	vadd.f32 v9, v0  }
0xaa: {  	[tilespmem:s30+$0xA140] =	vst v1;
	v1 =	vadd.f32 v5, v4  }
0xab: {  	[tilespmem:s30+$0xA150] =	vst v0  }
0xac: {  	s4 =	simm.s32 $0x0;
	s5 =	simm.s32 $0xA100;
	[tilespmem:s30+$0xA160] =	vst v1  }
0xad: {  	[hbm4b:s11+s4] =	stream.linear.scatter [tilespmem:s5], [sflag:$0x9], $0x2000, $0x38;
	[tilespmem:$0x1A100] =	vst v63  }
0xae: {  	_ =	swait.ge [sflag:s24], $0x2000  }
0xaf: {  	[sflag:s24] =	ssyncset.done $0x0  }
0xb0: {  	[sflag:s24] =	ssyncadd.s32 $0xFFFFE000  }
0xb1: {  	_ =	swait.ge [sflag:s25], $0x2000  }
0xb2: {  	[sflag:s25] =	ssyncset.done $0x0  }
0xb3: {  	s26 =	simm.s32 $0x0;
	[sflag:s25] =	ssyncadd.s32 $0xFFFFE000  }
0xb4: {  	v0 =	vld [tilespmem:s26+$0x4170]  }
0xb5: {  	v1 =	vld [tilespmem:s26+$0x4100]  }
0xb6: {  	v2 =	vld [tilespmem:s26+$0x14170]  }
0xb7: {  	v3 =	vld [tilespmem:s26+$0x4110]  }
0xb8: {  	v4 =	vld [tilespmem:s26+$0x4120]  }
0xb9: {  	v5 =	vld [tilespmem:s26+$0x4130]  }
0xba: {  	v6 =	vld [tilespmem:s26+$0x4140]  }
0xbb: {  	v9 =	vld [tilespmem:s26+$0x4150]  }
0xbc: {  	v10 =	vld [tilespmem:s26+$0x4160]  }
0xbd: {  	v11 =	vld [tilespmem:s26+$0x14100]  }
0xbe: {  	v63 =	vld [tilespmem:s26+$0x14110];
	v0 =	vmul.f32 $1.131370830e+01, v0  }
0xbf: {  	v8 =	vld [tilespmem:s26+$0x14120]  }
0xc0: {  	v7 =	vld [tilespmem:s26+$0x14130];
	v13 =	vmul.f32 $1.131370830e+01, v1;
	v14 =	vmul.f32 $1.131370830e+01, v3;
	v0 =	vadd.f32 v2, v0  }
0xc1: {  	v4 =	vmul.f32 $1.131370830e+01, v4;
	v3 =	vmul.f32 $1.131370830e+01, v5;
	v5 =	vld [tilespmem:s26+$0x14140]  }
0xc2: {  	v2 =	vmul.f32 $1.131370830e+01, v6;
	v6 =	vld [tilespmem:s26+$0x14150];
	[tilespmem:s26+$0xC170] =	vst v0;
	v0 =	vmul.f32 $1.131370830e+01, v10;
	v10 =	vadd.f32 v11, v13  }
0xc3: {  	s30 =	simm.s32 $0x80;
	s4 =	simm.s32 $0x400;
	v1 =	vmul.f32 $1.131370830e+01, v9;
	v9 =	vld [tilespmem:s26+$0x14160];
	v11 =	vadd.f32 v63, v14  }
.LBB2_6:
0xc4: {  	p1 =	sne.s32 s4, $0x7E00;
	v12 =	vld [tilespmem:s30+$0x4170];
	[tilespmem:s26+$0xC100] =	vst v10;
	v4 =	vadd.f32 v8, v4  }
0xc5: {  	v8 =	vld [tilespmem:s30+$0x4100];
	[tilespmem:s26+$0xC110] =	vst v11;
	v3 =	vadd.f32 v7, v3  }
0xc6: {  	v7 =	vld [tilespmem:s30+$0x14170];
	[tilespmem:s26+$0xC120] =	vst v4;
	v2 =	vadd.f32 v5, v2  }
0xc7: {  	v4 =	vld [tilespmem:s30+$0x4110];
	[tilespmem:s26+$0xC130] =	vst v3;
	v1 =	vadd.f32 v6, v1  }
0xc8: {  	v3 =	vld [tilespmem:s30+$0x4120];
	[tilespmem:s26+$0xC140] =	vst v2;
	v0 =	vadd.f32 v9, v0  }
0xc9: {  	v2 =	vld [tilespmem:s30+$0x4130];
	v5 =	vmul.f32 $1.131370830e+01, v12;
	[tilespmem:s26+$0xC150] =	vst v1  }
0xca: {  	v6 =	vmul.f32 $1.131370830e+01, v8;
	v1 =	vld [tilespmem:s30+$0x4140];
	[tilespmem:s26+$0xC160] =	vst v0;
	s26 =	smov.u32 s30  }
0xcb: {  	v0 =	vld [tilespmem:s26+$0x4150];
	v5 =	vadd.f32 v7, v5  }
0xcc: {  	v9 =	vmul.f32 $1.131370830e+01, v4;
	v10 =	vld [tilespmem:s26+$0x4160]  }
0xcd: {  	v11 =	vld [tilespmem:s26+$0x14100];
	v4 =	vmul.f32 $1.131370830e+01, v3;
	[tilespmem:s26+$0xC170] =	vst v5  }
0xce: {  	v12 =	vld [tilespmem:s26+$0x14110];
	v3 =	vmul.f32 $1.131370830e+01, v2  }
.Ltmp2:
0xcf: {  	v8 =	vld [tilespmem:s26+$0x14120];
	v2 =	vmul.f32 $1.131370830e+01, v1;
	(pc) =	sbr.rel @p1 .LBB2_6-.Ltmp2, $4  }
0xd0: {  	v7 =	vld [tilespmem:s26+$0x14130];
	v1 =	vmul.f32 $1.131370830e+01, v0  }
0xd1: {  	v5 =	vld [tilespmem:s26+$0x14140];
	v0 =	vmul.f32 $1.131370830e+01, v10  }
0xd2: {  	v10 =	vadd.f32 v11, v6;
	v6 =	vld [tilespmem:s26+$0x14150]  }
0xd3: {  	s30 =	sshra.s32 s4, $0x2;
	s4 =	sadd.s32 $0x200, s4;
	v11 =	vadd.f32 v12, v9;
	v9 =	vld [tilespmem:s26+$0x14160]  }
0xd4: {  	v12 =	vld [tilespmem:s30+$0x4170];
	[tilespmem:s26+$0xC100] =	vst v10;
	v4 =	vadd.f32 v8, v4  }
0xd5: {  	v10 =	vld [tilespmem:s30+$0x4100];
	[tilespmem:s26+$0xC110] =	vst v11;
	v3 =	vadd.f32 v7, v3  }
0xd6: {  	v8 =	vld [tilespmem:s30+$0x14170];
	[tilespmem:s26+$0xC120] =	vst v4;
	v2 =	vadd.f32 v5, v2  }
0xd7: {  	v4 =	vld [tilespmem:s30+$0x4110];
	[tilespmem:s26+$0xC130] =	vst v3;
	v1 =	vadd.f32 v6, v1  }
0xd8: {  	v3 =	vld [tilespmem:s30+$0x4120];
	[tilespmem:s26+$0xC140] =	vst v2;
	v0 =	vadd.f32 v9, v0  }
0xd9: {  	v2 =	vld [tilespmem:s30+$0x4130];
	[tilespmem:s26+$0xC150] =	vst v1  }
0xda: {  	v5 =	vmul.f32 $1.131370830e+01, v12;
	v1 =	vld [tilespmem:s30+$0x4140];
	[tilespmem:s26+$0xC160] =	vst v0  }
0xdb: {  	v0 =	vld [tilespmem:s30+$0x4150]  }
0xdc: {  	v5 =	vadd.f32 v8, v5;
	v7 =	vld [tilespmem:s30+$0x14100]  }
0xdd: {  	v8 =	vld [tilespmem:s30+$0x14120]  }
0xde: {  	[tilespmem:s30+$0xC170] =	vst v5;
	v5 =	vld [tilespmem:s30+$0x14110]  }
0xdf: {  	v6 =	vld [tilespmem:s30+$0x4160]  }
0xe0: {  	v9 =	vmul.f32 $1.131370830e+01, v10;
	v10 =	vld [tilespmem:s30+$0x14130]  }
0xe1: {  	v11 =	vld [tilespmem:s30+$0x14140];
	v4 =	vmul.f32 $1.131370830e+01, v4;
	v3 =	vmul.f32 $1.131370830e+01, v3  }
0xe2: {  	v7 =	vadd.f32 v7, v9;
	v9 =	vld [tilespmem:s30+$0x14150]  }
0xe3: {  	v2 =	vmul.f32 $1.131370830e+01, v2;
	v3 =	vadd.f32 v8, v3;
	v4 =	vadd.f32 v5, v4;
	v5 =	vld [tilespmem:s30+$0x14160]  }
0xe4: {  	v1 =	vmul.f32 $1.131370830e+01, v1;
	[tilespmem:s30+$0xC100] =	vst v7  }
0xe5: {  	v0 =	vmul.f32 $1.131370830e+01, v0;
	v2 =	vadd.f32 v10, v2;
	[tilespmem:s30+$0xC120] =	vst v3  }
0xe6: {  	v1 =	vadd.f32 v11, v1;
	[tilespmem:s30+$0xC110] =	vst v4;
	v4 =	vmul.f32 $1.131370830e+01, v6  }
0xe7: {  	[tilespmem:s30+$0xC130] =	vst v2;
	v0 =	vadd.f32 v9, v0  }
0xe8: {  	[tilespmem:s30+$0xC140] =	vst v1;
	v1 =	vadd.f32 v5, v4  }
0xe9: {  	[tilespmem:s30+$0xC150] =	vst v0  }
0xea: {  	s4 =	simm.s32 $0x0;
	s5 =	simm.s32 $0xC100;
	[tilespmem:s30+$0xC160] =	vst v1  }
0xeb: {  	[hbm4b:s12+s4] =	stream.linear.scatter [tilespmem:s5], [sflag:$0x9], $0x2000, $0x38;
	[tilespmem:$0x1A100] =	vst v63  }
0xec: {  	_ =	swait.ge [sflag:s28], $0x2000  }
0xed: {  	[sflag:s28] =	ssyncset.done $0x0  }
0xee: {  	[sflag:s28] =	ssyncadd.s32 $0xFFFFE000  }
0xef: {  	_ =	swait.ge [sflag:s29], $0x2000  }
0xf0: {  	[sflag:s29] =	ssyncset.done $0x0  }
0xf1: {  	s26 =	simm.s32 $0x0;
	[sflag:s29] =	ssyncadd.s32 $0xFFFFE000  }
0xf2: {  	v0 =	vld [tilespmem:s26+$0x6170]  }
0xf3: {  	v1 =	vld [tilespmem:s26+$0x6100]  }
0xf4: {  	v2 =	vld [tilespmem:s26+$0x16170]  }
0xf5: {  	v3 =	vld [tilespmem:s26+$0x6110]  }
0xf6: {  	v4 =	vld [tilespmem:s26+$0x6120]  }
0xf7: {  	v5 =	vld [tilespmem:s26+$0x6130]  }
0xf8: {  	v6 =	vld [tilespmem:s26+$0x6140]  }
0xf9: {  	v9 =	vld [tilespmem:s26+$0x6150]  }
0xfa: {  	v10 =	vld [tilespmem:s26+$0x6160]  }
0xfb: {  	v11 =	vld [tilespmem:s26+$0x16100]  }
0xfc: {  	v63 =	vld [tilespmem:s26+$0x16110];
	v0 =	vmul.f32 $1.131370830e+01, v0  }
0xfd: {  	v8 =	vld [tilespmem:s26+$0x16120]  }
0xfe: {  	v7 =	vld [tilespmem:s26+$0x16130];
	v13 =	vmul.f32 $1.131370830e+01, v1;
	v14 =	vmul.f32 $1.131370830e+01, v3;
	v0 =	vadd.f32 v2, v0  }
0xff: {  	v4 =	vmul.f32 $1.131370830e+01, v4;
	v3 =	vmul.f32 $1.131370830e+01, v5;
	v5 =	vld [tilespmem:s26+$0x16140]  }
0x100: {  	v2 =	vmul.f32 $1.131370830e+01, v6;
	v6 =	vld [tilespmem:s26+$0x16150];
	[tilespmem:s26+$0xE170] =	vst v0;
	v0 =	vmul.f32 $1.131370830e+01, v10;
	v10 =	vadd.f32 v11, v13  }
0x101: {  	s30 =	simm.s32 $0x80;
	s4 =	simm.s32 $0x400;
	v1 =	vmul.f32 $1.131370830e+01, v9;
	v9 =	vld [tilespmem:s26+$0x16160];
	v11 =	vadd.f32 v63, v14  }
.LBB2_8:
0x102: {  	p1 =	sne.s32 s4, $0x7E00;
	v12 =	vld [tilespmem:s30+$0x6170];
	[tilespmem:s26+$0xE100] =	vst v10;
	v4 =	vadd.f32 v8, v4  }
0x103: {  	v8 =	vld [tilespmem:s30+$0x6100];
	[tilespmem:s26+$0xE110] =	vst v11;
	v3 =	vadd.f32 v7, v3  }
0x104: {  	v7 =	vld [tilespmem:s30+$0x16170];
	[tilespmem:s26+$0xE120] =	vst v4;
	v2 =	vadd.f32 v5, v2  }
0x105: {  	v4 =	vld [tilespmem:s30+$0x6110];
	[tilespmem:s26+$0xE130] =	vst v3;
	v1 =	vadd.f32 v6, v1  }
0x106: {  	v3 =	vld [tilespmem:s30+$0x6120];
	[tilespmem:s26+$0xE140] =	vst v2;
	v0 =	vadd.f32 v9, v0  }
0x107: {  	v2 =	vld [tilespmem:s30+$0x6130];
	v5 =	vmul.f32 $1.131370830e+01, v12;
	[tilespmem:s26+$0xE150] =	vst v1  }
0x108: {  	v6 =	vmul.f32 $1.131370830e+01, v8;
	v1 =	vld [tilespmem:s30+$0x6140];
	[tilespmem:s26+$0xE160] =	vst v0;
	s26 =	smov.u32 s30  }
0x109: {  	v0 =	vld [tilespmem:s26+$0x6150];
	v5 =	vadd.f32 v7, v5  }
0x10a: {  	v9 =	vmul.f32 $1.131370830e+01, v4;
	v10 =	vld [tilespmem:s26+$0x6160]  }
0x10b: {  	v11 =	vld [tilespmem:s26+$0x16100];
	v4 =	vmul.f32 $1.131370830e+01, v3;
	[tilespmem:s26+$0xE170] =	vst v5  }
0x10c: {  	v12 =	vld [tilespmem:s26+$0x16110];
	v3 =	vmul.f32 $1.131370830e+01, v2  }
.Ltmp3:
0x10d: {  	v8 =	vld [tilespmem:s26+$0x16120];
	v2 =	vmul.f32 $1.131370830e+01, v1;
	(pc) =	sbr.rel @p1 .LBB2_8-.Ltmp3, $4  }
0x10e: {  	v7 =	vld [tilespmem:s26+$0x16130];
	v1 =	vmul.f32 $1.131370830e+01, v0  }
0x10f: {  	v5 =	vld [tilespmem:s26+$0x16140];
	v0 =	vmul.f32 $1.131370830e+01, v10  }
0x110: {  	v10 =	vadd.f32 v11, v6;
	v6 =	vld [tilespmem:s26+$0x16150]  }
0x111: {  	s30 =	sshra.s32 s4, $0x2;
	s4 =	sadd.s32 $0x200, s4;
	v11 =	vadd.f32 v12, v9;
	v9 =	vld [tilespmem:s26+$0x16160]  }
0x112: {  	v12 =	vld [tilespmem:s30+$0x6170];
	[tilespmem:s26+$0xE100] =	vst v10;
	v4 =	vadd.f32 v8, v4  }
0x113: {  	v10 =	vld [tilespmem:s30+$0x6100];
	[tilespmem:s26+$0xE110] =	vst v11;
	v3 =	vadd.f32 v7, v3  }
0x114: {  	v52 =	vld [tilespmem:s30+$0x16170];
	[tilespmem:s26+$0xE120] =	vst v4;
	v2 =	vadd.f32 v5, v2  }
0x115: {  	v4 =	vld [tilespmem:s30+$0x6110];
	[tilespmem:s26+$0xE130] =	vst v3;
	v1 =	vadd.f32 v6, v1  }
0x116: {  	v3 =	vld [tilespmem:s30+$0x6120];
	[tilespmem:s26+$0xE140] =	vst v2;
	v0 =	vadd.f32 v9, v0  }
0x117: {  	v2 =	vld [tilespmem:s30+$0x6130];
	[tilespmem:s26+$0xE150] =	vst v1  }
0x118: {  	v1 =	vld [tilespmem:s30+$0x6140];
	[tilespmem:s26+$0xE160] =	vst v0  }
0x119: {  	v0 =	vld [tilespmem:s30+$0x6150]  }
0x11a: {  	v54 =	vld [tilespmem:s30+$0x6160]  }
0x11b: {  	v55 =	vld [tilespmem:s30+$0x16100]  }
0x11c: {  	v56 =	vld [tilespmem:s30+$0x16110]  }
0x11d: {  	v53 =	vmul.f32 $1.131370830e+01, v12;
	v57 =	vld [tilespmem:s30+$0x16120]  }
0x11e: {  	v58 =	vmul.f32 $1.131370830e+01, v10;
	v59 =	vld [tilespmem:s30+$0x16130]  }
0x11f: {  	v5 =	vadd.f32 v52, v53;
	v11 =	vld [tilespmem:s30+$0x16140];
	v4 =	vmul.f32 $1.131370830e+01, v4  }
0x120: {  	v60 =	vld [tilespmem:s30+$0x16150];
	v3 =	vmul.f32 $1.131370830e+01, v3;
	v7 =	vadd.f32 v55, v58  }
0x121: {  	v61 =	vld [tilespmem:s30+$0x16160];
	[tilespmem:s30+$0xE170] =	vst v5;
	v2 =	vmul.f32 $1.131370830e+01, v2;
	v4 =	vadd.f32 v56, v4  }
0x122: {  	v1 =	vmul.f32 $1.131370830e+01, v1;
	v3 =	vadd.f32 v57, v3;
	[tilespmem:s30+$0xE100] =	vst v7  }
0x123: {  	v0 =	vmul.f32 $1.131370830e+01, v0;
	v2 =	vadd.f32 v59, v2;
	[tilespmem:s30+$0xE110] =	vst v4  }
0x124: {  	v62 =	vmul.f32 $1.131370830e+01, v54;
	v1 =	vadd.f32 v11, v1;
	[tilespmem:s30+$0xE120] =	vst v3  }
0x125: {  	[tilespmem:s30+$0xE130] =	vst v2;
	v0 =	vadd.f32 v60, v0  }
0x126: {  	v63 =	vadd.f32 v61, v62;
	[tilespmem:s30+$0xE140] =	vst v1  }
0x127: {  	[tilespmem:s30+$0xE150] =	vst v0  }
0x128: {  	s4 =	simm.s32 $0xE100;
	[tilespmem:s30+$0xE160] =	vst v63  }
0x129: {  	[hbm4b:s13+s3] =	stream.linear.scatter [tilespmem:s4], [sflag:$0x9], $0x2000, $0x38;
	[tilespmem:$0x1A100] =	vst v63  }
0x12a: {  	_ =	swait.ge [sflag:s2], $0x2000  }
0x12b: {  	[sflag:s2] =	ssyncset.done $0x0  }
0x12c: {  	[sflag:s2] =	ssyncadd.s32 $0xFFFFE000  }
0x12d: {  	_ =	swait.ge [sflag:s2], $0x2000  }
0x12e: {  	[sflag:s2] =	ssyncset.done $0x0  }
0x12f: {  	s23 =	sadd.s32 $0x1, s23;
	[sflag:s2] =	ssyncadd.s32 $0xFFFFE000  }
0x130: {  	p1 =	sne.s32 s23, s14;
	_ =	swait.ge [sflag:s2], $0x2000  }
.Ltmp4:
0x131: {  	[sflag:s2] =	ssyncset.done $0x0;
	(pc) =	sbr.rel @p1 .LBB2_1-.Ltmp4, $4  }
0x132: {  	[sflag:s2] =	ssyncadd.s32 $0xFFFFE000  }
0x133: {  	_ =	swait.ge [sflag:s2], $0x2000  }
0x134: {  	[sflag:s2] =	ssyncset.done $0x0  }
0x135: {  	[sflag:s2] =	ssyncadd.s32 $0xFFFFE000  }
0x136: {  	_ =	sfence.sel $0x180000  }
0x137: {  	[bflag:$0x0] =	sbarrier.arrive $0xFFFF  }
0x138: {  	_ =	strace $0x90000047  }
0x139: {  	s0 =	stileid.u32;
	[bflag:$0x2] =	sbarrier.arrive $0xFFFF  }
0x13a: {  	p0 =	sne.s32 s0, $0x0;
	s0 =	rddreg [dreg:$0x5]  }
0x13b: {  	s0 =	sadd.s32 @!p0 $0x100000, s0  }
0x13c: {  	[sflag:s0] =	ssyncadd.tile.s32 @!p0 $0x1;
	_ =	shalt  }
.Lfunc_end2:
_tile_overlayer_lowered:
.L_overlay_start_2:
0x13d: {  	(tag) =	ssettag $0x2  }
0x13e: {  	s0 =	rddreg [dreg:$0x0];
	s2 =	stileid.u32  }
0x13f: {  	s1 =	rddreg [dreg:$0x1];
	p0 =	sne.s32 s2, $0x0  }
0x140: {  	s3 =	rddreg [dreg:$0x2];
	[bflag:$0x3] =	sbarrier.arrive $0xFFFF;
	s2 =	simm.s32 @!p0 $0x1C0B  }
0x141: {  	[timem:s3], [sflag:s2] =	dma.local @!p0 [hbm:s0], s1  }
0x142: {  	s0 =	simm.s32 @!p0 $0xB  }
0x143: {  	_ =	swait.ge @!p0 [sflag:s0], s1  }
0x144: {  	s1 =	ssub.s32 @!p0 $0x0, s1;
	[sflag:s0] =	ssyncset.done @!p0 $0x0  }
0x145: {  	[sflag:s0] =	ssyncadd.s32 @!p0 s1  }
0x146: {  	[bflag:$0x3] =	sbarrier.arrive $0xFFFF  }
0x147: {  	_ =	shalt  }

</sc_bundles>
